<compile_context>
chip_gen: v7x
topology: tpu7x:2x2x1
jax: 0.10.2.dev20260603
libtpu: 0.0.44.dev20260713+nightly
codegen_flags: <defaults>
</compile_context>

<pallas_src>
import functools

import jax
import jax.numpy as jnp
from jax import lax
from jax.experimental import pallas as pl
from jax.experimental.pallas import tpu as pltpu
from jax.experimental.pallas import tpu_sc as plsc

_B = 8
_N = 128
_H = 32
_V = 1025
_D = 5
_F = 3
_K = _D * _F
_NPOS = _B * _N * _N
_NW = 32
_P = 128
_NCH = _NPOS // (_NW * _P)
_CH = 2048



def _tables_body(ee_ref, w5_ref, t_ref):
    row = lax.broadcasted_iota(jnp.int32, (_V, _H), 0)
    ee0 = jnp.where(row == 0, 0.0, ee_ref[...])
    for d in range(_D):
        t_ref[d] = jnp.dot(
            ee0, w5_ref[d], preferred_element_type=jnp.float32
        ).astype(jnp.bfloat16)


_tables_call = pl.pallas_call(
    _tables_body,
    out_shape=jax.ShapeDtypeStruct((_D, _V, _H), jnp.bfloat16),
)



def _sc_body(t_hbm, idx_hbm, out_hbm, idx_v, acc_v, sem):
    wid = lax.axis_index("s") * 2 + lax.axis_index("c")

    def chunk_body(c, _):
        pltpu.sync_copy(idx_hbm.at[pl.ds((wid * _NCH + c) * _K, _K)], idx_v)
        for k in range(_F, _K):
            off = (k // _F) * _V
            for j in range(_P // 16):
                sl = pl.ds(j * 16, 16)
                idx_v[k, sl] = idx_v[k, sl] + off
        zero = jnp.zeros((_H,), jnp.bfloat16)

        def zero_body(p, _):
            acc_v[p, :] = zero
            return 0

        lax.fori_loop(0, _P, zero_body, 0)
        descs = [
            pltpu.async_copy(t_hbm.at[idx_v.at[k]], acc_v, sem, add=True)
            for k in range(_K)
        ]
        for desc in descs:
            desc.wait()
        pltpu.sync_copy(acc_v, out_hbm.at[pl.ds(wid * _NCH * _P + c * _P, _P)])
        return 0

    lax.fori_loop(0, _NCH, chunk_body, 0)


@functools.cache
def _sc_call():
    return pl.kernel(
        _sc_body,
        out_type=jax.ShapeDtypeStruct((_NPOS, _H), jnp.bfloat16),
        mesh=plsc.VectorSubcoreMesh(
            core_axis_name="c", subcore_axis_name="s",
            num_cores=2, num_subcores=16,
        ),
        scratch_types=[
            pltpu.VMEM((_K, _P), jnp.int32),
            pltpu.VMEM((_P, _H), jnp.bfloat16),
            pltpu.SemaphoreType.DMA,
        ],
        compiler_params=pltpu.CompilerParams(use_tc_tiling_on_sc=False),
    )



def _finish_body(ab_ref, sp_ref, eb_ref, out_ref):
    spi = sp_ref[0]
    spi = jnp.where(spi == 0, 1, spi)
    spi = jnp.where(spi > 1, spi - 1, spi)
    spf = jnp.clip(spi, 0, _D).astype(jnp.float32)
    scale = 1.0 / (3.0 * spf)
    eye = (
        lax.broadcasted_iota(jnp.int32, (_H, _H), 0)
        == lax.broadcasted_iota(jnp.int32, (_H, _H), 1)
    ).astype(jnp.bfloat16)
    ebt = lax.dot_general(
        eye, eb_ref[0], (((1,), (1,)), ((), ())),
        preferred_element_type=jnp.float32,
    )
    out_ref[0] = ab_ref[0] + ebt * scale


_NBLK = _NPOS // _CH

_finish_call = pl.pallas_call(
    _finish_body,
    grid=(_B, _N * _N // _CH),
    in_specs=[
        pl.BlockSpec((1, 1, _CH), lambda b, c: (b * (_N * _N // _CH) + c, 0, 0)),
        pl.BlockSpec((1, 1, _CH), lambda b, c: (b * (_N * _N // _CH) + c, 0, 0)),
        pl.BlockSpec((1, _CH, _H), lambda b, c: (b * (_N * _N // _CH) + c, 0, 0)),
    ],
    out_specs=pl.BlockSpec((1, _H, _CH), lambda b, c: (b, 0, c)),
    out_shape=jax.ShapeDtypeStruct((_B, _H, _N * _N), jnp.float32),
)


def kernel(attn_bias, spatial_pos, x, attn_edge_type, edge_input,
           edge_encoder_weight, edge_dis_encoder_weight):
    del x, attn_edge_type
    w5 = edge_dis_encoder_weight[: _D * _H * _H].reshape(_D, _H, _H)
    t = _tables_call(edge_encoder_weight, w5).reshape(_D * _V, _H)
    idx4 = (
        edge_input.reshape(_NW, _NCH, _P, _K)
        .transpose(0, 1, 3, 2)
        .astype(jnp.int32)
        .reshape(_NW * _NCH * _K, _P)
    )
    eb = _sc_call()(t, idx4)
    out = _finish_call(
        attn_bias.reshape(_NBLK, 1, _CH),
        spatial_pos.reshape(_NBLK, 1, _CH).astype(jnp.int32),
        eb.reshape(_NBLK, _CH, _H),
    )
    return out.reshape(_B, _H, _N, _N)

# --- scband reference (transcript-rebuilt; emitter-appended) ---
"""Pipeline reference for scband-graph-attn-bias-90005334655213 (READ-ONLY COPY).

The authoritative reference and input builder live on the scoring server;
editing this copy changes nothing except your own understanding.
"""

import jax, jax.numpy as jnp
import numpy as np

NUM_HEADS = 32
NUM_EDGES = 1024
NUM_EDGE_DIS = 128
MULTI_HOP_MAX_DIST = 5
B, N, D, F = 8, 128, 5, 3


def setup_inputs(seed: int = 0) -> dict:
    key = jax.random.key(seed)
    ks = jax.random.split(key, 7)
    attn_bias = jax.random.normal(ks[0], (B, N, N), dtype=jnp.float32)
    spatial_pos = jax.random.randint(ks[1], (B, N, N), 0, 512)
    x = jax.random.randint(ks[2], (B, N), 0, 512)
    attn_edge_type = jax.random.randint(ks[3], (B, N, N), 0, 1024)
    edge_input = jax.random.randint(ks[4], (B, N, N, D, F), 0, 1024)
    edge_encoder_weight = jax.random.normal(ks[5], (NUM_EDGES + 1, NUM_HEADS), dtype=jnp.float32) * 0.02
    edge_encoder_weight = edge_encoder_weight.at[0].set(0.0)  # padding_idx=0
    edge_dis_encoder_weight = jax.random.normal(ks[6], (NUM_EDGE_DIS * NUM_HEADS * NUM_HEADS, 1), dtype=jnp.float32) * 0.02
    return {
        'attn_bias': attn_bias,
        'spatial_pos': spatial_pos,
        'x': x,
        'attn_edge_type': attn_edge_type,
        'edge_input': edge_input,
        'edge_encoder_weight': edge_encoder_weight,
        'edge_dis_encoder_weight': edge_dis_encoder_weight,
    }


def reference(attn_bias, spatial_pos, x, attn_edge_type, edge_input, edge_encoder_weight, edge_dis_encoder_weight):
    H = NUM_HEADS
    n_graph, n_node = x.shape
    graph_attn_bias = jnp.tile(attn_bias[:, None, :, :], (1, H, 1, 1))
    # multi_hop branch
    sp = jnp.where(spatial_pos == 0, 1, spatial_pos)
    sp = jnp.where(sp > 1, sp - 1, sp)
    sp = jnp.clip(sp, 0, MULTI_HOP_MAX_DIST)
    ei = edge_input[:, :, :, :MULTI_HOP_MAX_DIST, :]
    ee = edge_encoder_weight.at[0].set(0.0)  # enforce padding row = 0
    emb = jnp.take(ee, ei, axis=0).mean(axis=-2)  # [B, N, N, D, H]
    max_dist = emb.shape[-2]
    flat = jnp.transpose(emb, (3, 0, 1, 2, 4)).reshape(max_dist, -1, H)
    w = edge_dis_encoder_weight.reshape(-1, H, H)[:max_dist, :, :]
    flat = jnp.einsum('dbh,dhk->dbk', flat, w)  # batched matmul over dist
    emb2 = flat.reshape(max_dist, n_graph, n_node, n_node, H)
    emb2 = jnp.transpose(emb2, (1, 2, 3, 0, 4))
    edge_bias = emb2.sum(axis=-2) / sp.astype(jnp.float32)[..., None]
    edge_bias = jnp.transpose(edge_bias, (0, 3, 1, 2))
    return graph_attn_bias + edge_bias

if __name__ == "__main__":
    import jax
    _d = setup_inputs()
    print(jax.jit(kernel)(*tuple(_d.values())))

</pallas_src>

<mosaic_0001>
#map = affine_map<(d0, d1) -> (0, 0)>
module attributes {stable_mosaic.version = 14 : i64} {
  func.func @_sc_body(%arg0: i32, %arg1: i32, %arg2: memref<5125x32xbf16, #tpu.memory_space<hbm>>, %arg3: memref<15360x128xi32, #tpu.memory_space<hbm>>, %arg4: memref<131072x32xbf16, #tpu.memory_space<hbm>>, %arg5: memref<15x128xi32, #tpu.memory_space<vmem>>, %arg6: memref<128x32xbf16, #tpu.memory_space<vmem>>, %arg7: memref<!tpu.dma_semaphore, #tpu.memory_space<semaphore_mem>>) attributes {dimension_semantics = [#tpu.dimension_semantics<core_parallel>, #tpu.dimension_semantics<subcore_parallel>], iteration_bounds = array<i64: 2, 16>, scalar_prefetch = 0 : i64, scratch_operands = 3 : i64, tpu.core_type = #tpu.core_type<sc_vector_subcore>, window_params = [{transform_indices = #map}, {transform_indices = #map}, {transform_indices = #map}]} {
    %mul3A = arith.constant 2 : i32
    %mul3A_0 = arith.muli %arg1, %mul3A : i32
    %add3A = arith.addi %mul3A_0, %arg0 : i32
    %scan3A = arith.constant 0 : i32
    %scan3A_1 = arith.constant 0 : i32
    %scan3A_2 = arith.constant 32 : i32
    %scan3A_3 = arith.addi %scan3A_1, %scan3A_2 : i32
    %scan3A_4 = arith.constant 1 : i32
    %scan3A_5 = scf.for %scan3A_7 = %scan3A_1 to %scan3A_3 step %scan3A_4 iter_args(%scan3A_8 = %scan3A) -> (i32)  : i32 {
      %mul3A_9 = arith.constant 32 : i32
      %mul3A_10 = arith.muli %add3A, %mul3A_9 : i32
      %add3A_11 = arith.addi %mul3A_10, %scan3A_7 : i32
      %mul3A_12 = arith.constant 15 : i32
      %mul3A_13 = arith.muli %add3A_11, %mul3A_12 : i32
      "tpu.region"() ({
        %run_scoped3A = tpu.sem_alloc : memref<!tpu.dma_semaphore, #tpu.memory_space<semaphore_mem>>
        %dma_start3A_1580 = arith.constant 0 : i32
        %dma_start3A_1581 = tpu.memref_slice %arg3[%mul3A_13, %dma_start3A_1580] : memref<15360x128xi32, #tpu.memory_space<hbm>> -> memref<15x128xi32, #tpu.memory_space<hbm>>
        %dma_start3A_1582 = arith.constant 0 : i32
        %dma_start3A_1583 = tpu.memref_slice %arg3[%mul3A_13, %dma_start3A_1582] : memref<15360x128xi32, #tpu.memory_space<hbm>> -> memref<15x128xi32, #tpu.memory_space<hbm>>
        tpu.enqueue_dma source(%dma_start3A_1583 : memref<15x128xi32, #tpu.memory_space<hbm>>) target(%arg5 : memref<15x128xi32, #tpu.memory_space<vmem>>) target_semaphore(%run_scoped3A : memref<!tpu.dma_semaphore, #tpu.memory_space<semaphore_mem>>)
        %dma_wait3A_1584 = arith.constant 0 : i32
        %dma_wait3A_1585 = tpu.memref_slice %arg3[%mul3A_13, %dma_wait3A_1584] : memref<15360x128xi32, #tpu.memory_space<hbm>> -> memref<15x128xi32, #tpu.memory_space<hbm>>
        %dma_wait3A_1586 = arith.constant 0 : i32
        %dma_wait3A_1587 = tpu.memref_slice %arg3[%mul3A_13, %dma_wait3A_1586] : memref<15360x128xi32, #tpu.memory_space<hbm>> -> memref<15x128xi32, #tpu.memory_space<hbm>>
        tpu.wait_dma2 semaphore(%run_scoped3A : memref<!tpu.dma_semaphore, #tpu.memory_space<semaphore_mem>>) src(%dma_wait3A_1587 : memref<15x128xi32, #tpu.memory_space<hbm>>) dst(%arg5 : memref<15x128xi32, #tpu.memory_space<vmem>>)
        tpu.yield
      }) : () -> ()
      %get3A = arith.constant 3 : i32
      %get3A_14 = arith.index_cast %get3A : i32 to index
      %get3A_15 = arith.constant 0 : index
      %get3A_16 = tpu.vector_load %arg5[%get3A_14, %get3A_15] {strides = array<i32>} : memref<15x128xi32, #tpu.memory_space<vmem>>, vector<1x16xi32>,
      %get3A_17 = vector.shape_cast %get3A_16 : vector<1x16xi32> to vector<16xi32>
      %add3A_18 = arith.constant 1025 : i32
      %add3A_19 = vector.broadcast %add3A_18 : i32 to vector<16xi32>
      %add3A_20 = arith.addi %get3A_17, %add3A_19 : vector<16xi32>
      %swap3A = arith.constant 3 : i32
      %swap3A_21 = arith.index_cast %swap3A : i32 to index
      %swap3A_22 = arith.constant 0 : index
      %swap3A_23 = tpu.vector_load %arg5[%swap3A_21, %swap3A_22] {strides = array<i32>} : memref<15x128xi32, #tpu.memory_space<vmem>>, vector<1x16xi32>,
      %swap3A_24 = vector.shape_cast %swap3A_23 : vector<1x16xi32> to vector<16xi32>
      %swap3A_25 = vector.shape_cast %add3A_20 : vector<16xi32> to vector<1x16xi32>
      tpu.vector_store %arg5[%swap3A_21, %swap3A_22], %swap3A_25 {strides = array<i32>} : memref<15x128xi32, #tpu.memory_space<vmem>>, vector<1x16xi32>,
      %get3A_26 = arith.constant 3 : i32
      %get3A_27 = arith.index_cast %get3A_26 : i32 to index
      %get3A_28 = arith.constant 16 : index
      %get3A_29 = tpu.vector_load %arg5[%get3A_27, %get3A_28] {strides = array<i32>} : memref<15x128xi32, #tpu.memory_space<vmem>>, vector<1x16xi32>,
      %get3A_30 = vector.shape_cast %get3A_29 : vector<1x16xi32> to vector<16xi32>
      %add3A_31 = arith.constant 1025 : i32
      %add3A_32 = vector.broadcast %add3A_31 : i32 to vector<16xi32>
      %add3A_33 = arith.addi %get3A_30, %add3A_32 : vector<16xi32>
      %swap3A_34 = arith.constant 3 : i32
      %swap3A_35 = arith.index_cast %swap3A_34 : i32 to index
      %swap3A_36 = arith.constant 16 : index
      %swap3A_37 = tpu.vector_load %arg5[%swap3A_35, %swap3A_36] {strides = array<i32>} : memref<15x128xi32, #tpu.memory_space<vmem>>, vector<1x16xi32>,
      %swap3A_38 = vector.shape_cast %swap3A_37 : vector<1x16xi32> to vector<16xi32>
      %swap3A_39 = vector.shape_cast %add3A_33 : vector<16xi32> to vector<1x16xi32>
      tpu.vector_store %arg5[%swap3A_35, %swap3A_36], %swap3A_39 {strides = array<i32>} : memref<15x128xi32, #tpu.memory_space<vmem>>, vector<1x16xi32>,
      %get3A_40 = arith.constant 3 : i32
      %get3A_41 = arith.index_cast %get3A_40 : i32 to index
      %get3A_42 = arith.constant 32 : index
      %get3A_43 = tpu.vector_load %arg5[%get3A_41, %get3A_42] {strides = array<i32>} : memref<15x128xi32, #tpu.memory_space<vmem>>, vector<1x16xi32>,
      %get3A_44 = vector.shape_cast %get3A_43 : vector<1x16xi32> to vector<16xi32>
      %add3A_45 = arith.constant 1025 : i32
      %add3A_46 = vector.broadcast %add3A_45 : i32 to vector<16xi32>
      %add3A_47 = arith.addi %get3A_44, %add3A_46 : vector<16xi32>
      %swap3A_48 = arith.constant 3 : i32
      %swap3A_49 = arith.index_cast %swap3A_48 : i32 to index
      %swap3A_50 = arith.constant 32 : index
      %swap3A_51 = tpu.vector_load %arg5[%swap3A_49, %swap3A_50] {strides = array<i32>} : memref<15x128xi32, #tpu.memory_space<vmem>>, vector<1x16xi32>,
      %swap3A_52 = vector.shape_cast %swap3A_51 : vector<1x16xi32> to vector<16xi32>
      %swap3A_53 = vector.shape_cast %add3A_47 : vector<16xi32> to vector<1x16xi32>
      tpu.vector_store %arg5[%swap3A_49, %swap3A_50], %swap3A_53 {strides = array<i32>} : memref<15x128xi32, #tpu.memory_space<vmem>>, vector<1x16xi32>,
      %get3A_54 = arith.constant 3 : i32
      %get3A_55 = arith.index_cast %get3A_54 : i32 to index
      %get3A_56 = arith.constant 48 : index
      %get3A_57 = tpu.vector_load %arg5[%get3A_55, %get3A_56] {strides = array<i32>} : memref<15x128xi32, #tpu.memory_space<vmem>>, vector<1x16xi32>,
      %get3A_58 = vector.shape_cast %get3A_57 : vector<1x16xi32> to vector<16xi32>
      %add3A_59 = arith.constant 1025 : i32
      %add3A_60 = vector.broadcast %add3A_59 : i32 to vector<16xi32>
      %add3A_61 = arith.addi %get3A_58, %add3A_60 : vector<16xi32>
      %swap3A_62 = arith.constant 3 : i32
      %swap3A_63 = arith.index_cast %swap3A_62 : i32 to index
      %swap3A_64 = arith.constant 48 : index
      %swap3A_65 = tpu.vector_load %arg5[%swap3A_63, %swap3A_64] {strides = array<i32>} : memref<15x128xi32, #tpu.memory_space<vmem>>, vector<1x16xi32>,
      %swap3A_66 = vector.shape_cast %swap3A_65 : vector<1x16xi32> to vector<16xi32>
      %swap3A_67 = vector.shape_cast %add3A_61 : vector<16xi32> to vector<1x16xi32>
      tpu.vector_store %arg5[%swap3A_63, %swap3A_64], %swap3A_67 {strides = array<i32>} : memref<15x128xi32, #tpu.memory_space<vmem>>, vector<1x16xi32>,
      %get3A_68 = arith.constant 3 : i32
      %get3A_69 = arith.index_cast %get3A_68 : i32 to index
      %get3A_70 = arith.constant 64 : index
      %get3A_71 = tpu.vector_load %arg5[%get3A_69, %get3A_70] {strides = array<i32>} : memref<15x128xi32, #tpu.memory_space<vmem>>, vector<1x16xi32>,
      %get3A_72 = vector.shape_cast %get3A_71 : vector<1x16xi32> to vector<16xi32>
      %add3A_73 = arith.constant 1025 : i32
      %add3A_74 = vector.broadcast %add3A_73 : i32 to vector<16xi32>
      %add3A_75 = arith.addi %get3A_72, %add3A_74 : vector<16xi32>
      %swap3A_76 = arith.constant 3 : i32
      %swap3A_77 = arith.index_cast %swap3A_76 : i32 to index
      %swap3A_78 = arith.constant 64 : index
      %swap3A_79 = tpu.vector_load %arg5[%swap3A_77, %swap3A_78] {strides = array<i32>} : memref<15x128xi32, #tpu.memory_space<vmem>>, vector<1x16xi32>,
      %swap3A_80 = vector.shape_cast %swap3A_79 : vector<1x16xi32> to vector<16xi32>
      %swap3A_81 = vector.shape_cast %add3A_75 : vector<16xi32> to vector<1x16xi32>
      tpu.vector_store %arg5[%swap3A_77, %swap3A_78], %swap3A_81 {strides = array<i32>} : memref<15x128xi32, #tpu.memory_space<vmem>>, vector<1x16xi32>,
      %get3A_82 = arith.constant 3 : i32
      %get3A_83 = arith.index_cast %get3A_82 : i32 to index
      %get3A_84 = arith.constant 80 : index
      %get3A_85 = tpu.vector_load %arg5[%get3A_83, %get3A_84] {strides = array<i32>} : memref<15x128xi32, #tpu.memory_space<vmem>>, vector<1x16xi32>,
      %get3A_86 = vector.shape_cast %get3A_85 : vector<1x16xi32> to vector<16xi32>
      %add3A_87 = arith.constant 1025 : i32
      %add3A_88 = vector.broadcast %add3A_87 : i32 to vector<16xi32>
      %add3A_89 = arith.addi %get3A_86, %add3A_88 : vector<16xi32>
      %swap3A_90 = arith.constant 3 : i32
      %swap3A_91 = arith.index_cast %swap3A_90 : i32 to index
      %swap3A_92 = arith.constant 80 : index
      %swap3A_93 = tpu.vector_load %arg5[%swap3A_91, %swap3A_92] {strides = array<i32>} : memref<15x128xi32, #tpu.memory_space<vmem>>, vector<1x16xi32>,
      %swap3A_94 = vector.shape_cast %swap3A_93 : vector<1x16xi32> to vector<16xi32>
      %swap3A_95 = vector.shape_cast %add3A_89 : vector<16xi32> to vector<1x16xi32>
      tpu.vector_store %arg5[%swap3A_91, %swap3A_92], %swap3A_95 {strides = array<i32>} : memref<15x128xi32, #tpu.memory_space<vmem>>, vector<1x16xi32>,
      %get3A_96 = arith.constant 3 : i32
      %get3A_97 = arith.index_cast %get3A_96 : i32 to index
      %get3A_98 = arith.constant 96 : index
      %get3A_99 = tpu.vector_load %arg5[%get3A_97, %get3A_98] {strides = array<i32>} : memref<15x128xi32, #tpu.memory_space<vmem>>, vector<1x16xi32>,
      %get3A_100 = vector.shape_cast %get3A_99 : vector<1x16xi32> to vector<16xi32>
      %add3A_101 = arith.constant 1025 : i32
      %add3A_102 = vector.broadcast %add3A_101 : i32 to vector<16xi32>
      %add3A_103 = arith.addi %get3A_100, %add3A_102 : vector<16xi32>
      %swap3A_104 = arith.constant 3 : i32
      %swap3A_105 = arith.index_cast %swap3A_104 : i32 to index
      %swap3A_106 = arith.constant 96 : index
      %swap3A_107 = tpu.vector_load %arg5[%swap3A_105, %swap3A_106] {strides = array<i32>} : memref<15x128xi32, #tpu.memory_space<vmem>>, vector<1x16xi32>,
      %swap3A_108 = vector.shape_cast %swap3A_107 : vector<1x16xi32> to vector<16xi32>
      %swap3A_109 = vector.shape_cast %add3A_103 : vector<16xi32> to vector<1x16xi32>
      tpu.vector_store %arg5[%swap3A_105, %swap3A_106], %swap3A_109 {strides = array<i32>} : memref<15x128xi32, #tpu.memory_space<vmem>>, vector<1x16xi32>,
      %get3A_110 = arith.constant 3 : i32
      %get3A_111 = arith.index_cast %get3A_110 : i32 to index
      %get3A_112 = arith.constant 112 : index
      %get3A_113 = tpu.vector_load %arg5[%get3A_111, %get3A_112] {strides = array<i32>} : memref<15x128xi32, #tpu.memory_space<vmem>>, vector<1x16xi32>,
      %get3A_114 = vector.shape_cast %get3A_113 : vector<1x16xi32> to vector<16xi32>
      %add3A_115 = arith.constant 1025 : i32
      %add3A_116 = vector.broadcast %add3A_115 : i32 to vector<16xi32>
      %add3A_117 = arith.addi %get3A_114, %add3A_116 : vector<16xi32>
      %swap3A_118 = arith.constant 3 : i32
      %swap3A_119 = arith.index_cast %swap3A_118 : i32 to index
      %swap3A_120 = arith.constant 112 : index
      %swap3A_121 = tpu.vector_load %arg5[%swap3A_119, %swap3A_120] {strides = array<i32>} : memref<15x128xi32, #tpu.memory_space<vmem>>, vector<1x16xi32>,
      %swap3A_122 = vector.shape_cast %swap3A_121 : vector<1x16xi32> to vector<16xi32>
      %swap3A_123 = vector.shape_cast %add3A_117 : vector<16xi32> to vector<1x16xi32>
      tpu.vector_store %arg5[%swap3A_119, %swap3A_120], %swap3A_123 {strides = array<i32>} : memref<15x128xi32, #tpu.memory_space<vmem>>, vector<1x16xi32>,
      %get3A_124 = arith.constant 4 : i32
      %get3A_125 = arith.index_cast %get3A_124 : i32 to index
      %get3A_126 = arith.constant 0 : index
      %get3A_127 = tpu.vector_load %arg5[%get3A_125, %get3A_126] {strides = array<i32>} : memref<15x128xi32, #tpu.memory_space<vmem>>, vector<1x16xi32>,
      %get3A_128 = vector.shape_cast %get3A_127 : vector<1x16xi32> to vector<16xi32>
      %add3A_129 = arith.constant 1025 : i32
      %add3A_130 = vector.broadcast %add3A_129 : i32 to vector<16xi32>
      %add3A_131 = arith.addi %get3A_128, %add3A_130 : vector<16xi32>
      %swap3A_132 = arith.constant 4 : i32
      %swap3A_133 = arith.index_cast %swap3A_132 : i32 to index
      %swap3A_134 = arith.constant 0 : index
      %swap3A_135 = tpu.vector_load %arg5[%swap3A_133, %swap3A_134] {strides = array<i32>} : memref<15x128xi32, #tpu.memory_space<vmem>>, vector<1x16xi32>,
      %swap3A_136 = vector.shape_cast %swap3A_135 : vector<1x16xi32> to vector<16xi32>
      %swap3A_137 = vector.shape_cast %add3A_131 : vector<16xi32> to vector<1x16xi32>
      tpu.vector_store %arg5[%swap3A_133, %swap3A_134], %swap3A_137 {strides = array<i32>} : memref<15x128xi32, #tpu.memory_space<vmem>>, vector<1x16xi32>,
      %get3A_138 = arith.constant 4 : i32
      %get3A_139 = arith.index_cast %get3A_138 : i32 to index
      %get3A_140 = arith.constant 16 : index
      %get3A_141 = tpu.vector_load %arg5[%get3A_139, %get3A_140] {strides = array<i32>} : memref<15x128xi32, #tpu.memory_space<vmem>>, vector<1x16xi32>,
      %get3A_142 = vector.shape_cast %get3A_141 : vector<1x16xi32> to vector<16xi32>
      %add3A_143 = arith.constant 1025 : i32
      %add3A_144 = vector.broadcast %add3A_143 : i32 to vector<16xi32>
      %add3A_145 = arith.addi %get3A_142, %add3A_144 : vector<16xi32>
      %swap3A_146 = arith.constant 4 : i32
      %swap3A_147 = arith.index_cast %swap3A_146 : i32 to index
      %swap3A_148 = arith.constant 16 : index
      %swap3A_149 = tpu.vector_load %arg5[%swap3A_147, %swap3A_148] {strides = array<i32>} : memref<15x128xi32, #tpu.memory_space<vmem>>, vector<1x16xi32>,
      %swap3A_150 = vector.shape_cast %swap3A_149 : vector<1x16xi32> to vector<16xi32>
      %swap3A_151 = vector.shape_cast %add3A_145 : vector<16xi32> to vector<1x16xi32>
      tpu.vector_store %arg5[%swap3A_147, %swap3A_148], %swap3A_151 {strides = array<i32>} : memref<15x128xi32, #tpu.memory_space<vmem>>, vector<1x16xi32>,
      %get3A_152 = arith.constant 4 : i32
      %get3A_153 = arith.index_cast %get3A_152 : i32 to index
      %get3A_154 = arith.constant 32 : index
      %get3A_155 = tpu.vector_load %arg5[%get3A_153, %get3A_154] {strides = array<i32>} : memref<15x128xi32, #tpu.memory_space<vmem>>, vector<1x16xi32>,
      %get3A_156 = vector.shape_cast %get3A_155 : vector<1x16xi32> to vector<16xi32>
      %add3A_157 = arith.constant 1025 : i32
      %add3A_158 = vector.broadcast %add3A_157 : i32 to vector<16xi32>
      %add3A_159 = arith.addi %get3A_156, %add3A_158 : vector<16xi32>
      %swap3A_160 = arith.constant 4 : i32
      %swap3A_161 = arith.index_cast %swap3A_160 : i32 to index
      %swap3A_162 = arith.constant 32 : index
      %swap3A_163 = tpu.vector_load %arg5[%swap3A_161, %swap3A_162] {strides = array<i32>} : memref<15x128xi32, #tpu.memory_space<vmem>>, vector<1x16xi32>,
      %swap3A_164 = vector.shape_cast %swap3A_163 : vector<1x16xi32> to vector<16xi32>
      %swap3A_165 = vector.shape_cast %add3A_159 : vector<16xi32> to vector<1x16xi32>
      tpu.vector_store %arg5[%swap3A_161, %swap3A_162], %swap3A_165 {strides = array<i32>} : memref<15x128xi32, #tpu.memory_space<vmem>>, vector<1x16xi32>,
      %get3A_166 = arith.constant 4 : i32
      %get3A_167 = arith.index_cast %get3A_166 : i32 to index
      %get3A_168 = arith.constant 48 : index
      %get3A_169 = tpu.vector_load %arg5[%get3A_167, %get3A_168] {strides = array<i32>} : memref<15x128xi32, #tpu.memory_space<vmem>>, vector<1x16xi32>,
      %get3A_170 = vector.shape_cast %get3A_169 : vector<1x16xi32> to vector<16xi32>
      %add3A_171 = arith.constant 1025 : i32
      %add3A_172 = vector.broadcast %add3A_171 : i32 to vector<16xi32>
      %add3A_173 = arith.addi %get3A_170, %add3A_172 : vector<16xi32>
      %swap3A_174 = arith.constant 4 : i32
      %swap3A_175 = arith.index_cast %swap3A_174 : i32 to index
      %swap3A_176 = arith.constant 48 : index
      %swap3A_177 = tpu.vector_load %arg5[%swap3A_175, %swap3A_176] {strides = array<i32>} : memref<15x128xi32, #tpu.memory_space<vmem>>, vector<1x16xi32>,
      %swap3A_178 = vector.shape_cast %swap3A_177 : vector<1x16xi32> to vector<16xi32>
      %swap3A_179 = vector.shape_cast %add3A_173 : vector<16xi32> to vector<1x16xi32>
      tpu.vector_store %arg5[%swap3A_175, %swap3A_176], %swap3A_179 {strides = array<i32>} : memref<15x128xi32, #tpu.memory_space<vmem>>, vector<1x16xi32>,
      %get3A_180 = arith.constant 4 : i32
      %get3A_181 = arith.index_cast %get3A_180 : i32 to index
      %get3A_182 = arith.constant 64 : index
      %get3A_183 = tpu.vector_load %arg5[%get3A_181, %get3A_182] {strides = array<i32>} : memref<15x128xi32, #tpu.memory_space<vmem>>, vector<1x16xi32>,
      %get3A_184 = vector.shape_cast %get3A_183 : vector<1x16xi32> to vector<16xi32>
      %add3A_185 = arith.constant 1025 : i32
      %add3A_186 = vector.broadcast %add3A_185 : i32 to vector<16xi32>
      %add3A_187 = arith.addi %get3A_184, %add3A_186 : vector<16xi32>
      %swap3A_188 = arith.constant 4 : i32
      %swap3A_189 = arith.index_cast %swap3A_188 : i32 to index
      %swap3A_190 = arith.constant 64 : index
      %swap3A_191 = tpu.vector_load %arg5[%swap3A_189, %swap3A_190] {strides = array<i32>} : memref<15x128xi32, #tpu.memory_space<vmem>>, vector<1x16xi32>,
      %swap3A_192 = vector.shape_cast %swap3A_191 : vector<1x16xi32> to vector<16xi32>
      %swap3A_193 = vector.shape_cast %add3A_187 : vector<16xi32> to vector<1x16xi32>
      tpu.vector_store %arg5[%swap3A_189, %swap3A_190], %swap3A_193 {strides = array<i32>} : memref<15x128xi32, #tpu.memory_space<vmem>>, vector<1x16xi32>,
      %get3A_194 = arith.constant 4 : i32
      %get3A_195 = arith.index_cast %get3A_194 : i32 to index
      %get3A_196 = arith.constant 80 : index
      %get3A_197 = tpu.vector_load %arg5[%get3A_195, %get3A_196] {strides = array<i32>} : memref<15x128xi32, #tpu.memory_space<vmem>>, vector<1x16xi32>,
      %get3A_198 = vector.shape_cast %get3A_197 : vector<1x16xi32> to vector<16xi32>
      %add3A_199 = arith.constant 1025 : i32
      %add3A_200 = vector.broadcast %add3A_199 : i32 to vector<16xi32>
      %add3A_201 = arith.addi %get3A_198, %add3A_200 : vector<16xi32>
      %swap3A_202 = arith.constant 4 : i32
      %swap3A_203 = arith.index_cast %swap3A_202 : i32 to index
      %swap3A_204 = arith.constant 80 : index
      %swap3A_205 = tpu.vector_load %arg5[%swap3A_203, %swap3A_204] {strides = array<i32>} : memref<15x128xi32, #tpu.memory_space<vmem>>, vector<1x16xi32>,
      %swap3A_206 = vector.shape_cast %swap3A_205 : vector<1x16xi32> to vector<16xi32>
      %swap3A_207 = vector.shape_cast %add3A_201 : vector<16xi32> to vector<1x16xi32>
      tpu.vector_store %arg5[%swap3A_203, %swap3A_204], %swap3A_207 {strides = array<i32>} : memref<15x128xi32, #tpu.memory_space<vmem>>, vector<1x16xi32>,
      %get3A_208 = arith.constant 4 : i32
      %get3A_209 = arith.index_cast %get3A_208 : i32 to index
      %get3A_210 = arith.constant 96 : index
      %get3A_211 = tpu.vector_load %arg5[%get3A_209, %get3A_210] {strides = array<i32>} : memref<15x128xi32, #tpu.memory_space<vmem>>, vector<1x16xi32>,
      %get3A_212 = vector.shape_cast %get3A_211 : vector<1x16xi32> to vector<16xi32>
      %add3A_213 = arith.constant 1025 : i32
      %add3A_214 = vector.broadcast %add3A_213 : i32 to vector<16xi32>
      %add3A_215 = arith.addi %get3A_212, %add3A_214 : vector<16xi32>
      %swap3A_216 = arith.constant 4 : i32
      %swap3A_217 = arith.index_cast %swap3A_216 : i32 to index
      %swap3A_218 = arith.constant 96 : index
      %swap3A_219 = tpu.vector_load %arg5[%swap3A_217, %swap3A_218] {strides = array<i32>} : memref<15x128xi32, #tpu.memory_space<vmem>>, vector<1x16xi32>,
      %swap3A_220 = vector.shape_cast %swap3A_219 : vector<1x16xi32> to vector<16xi32>
      %swap3A_221 = vector.shape_cast %add3A_215 : vector<16xi32> to vector<1x16xi32>
      tpu.vector_store %arg5[%swap3A_217, %swap3A_218], %swap3A_221 {strides = array<i32>} : memref<15x128xi32, #tpu.memory_space<vmem>>, vector<1x16xi32>,
      %get3A_222 = arith.constant 4 : i32
      %get3A_223 = arith.index_cast %get3A_222 : i32 to index
      %get3A_224 = arith.constant 112 : index
      %get3A_225 = tpu.vector_load %arg5[%get3A_223, %get3A_224] {strides = array<i32>} : memref<15x128xi32, #tpu.memory_space<vmem>>, vector<1x16xi32>,
      %get3A_226 = vector.shape_cast %get3A_225 : vector<1x16xi32> to vector<16xi32>
      %add3A_227 = arith.constant 1025 : i32
      %add3A_228 = vector.broadcast %add3A_227 : i32 to vector<16xi32>
      %add3A_229 = arith.addi %get3A_226, %add3A_228 : vector<16xi32>
      %swap3A_230 = arith.constant 4 : i32
      %swap3A_231 = arith.index_cast %swap3A_230 : i32 to index
      %swap3A_232 = arith.constant 112 : index
      %swap3A_233 = tpu.vector_load %arg5[%swap3A_231, %swap3A_232] {strides = array<i32>} : memref<15x128xi32, #tpu.memory_space<vmem>>, vector<1x16xi32>,
      %swap3A_234 = vector.shape_cast %swap3A_233 : vector<1x16xi32> to vector<16xi32>
      %swap3A_235 = vector.shape_cast %add3A_229 : vector<16xi32> to vector<1x16xi32>
      tpu.vector_store %arg5[%swap3A_231, %swap3A_232], %swap3A_235 {strides = array<i32>} : memref<15x128xi32, #tpu.memory_space<vmem>>, vector<1x16xi32>,
      %get3A_236 = arith.constant 5 : i32
      %get3A_237 = arith.index_cast %get3A_236 : i32 to index
      %get3A_238 = arith.constant 0 : index
      %get3A_239 = tpu.vector_load %arg5[%get3A_237, %get3A_238] {strides = array<i32>} : memref<15x128xi32, #tpu.memory_space<vmem>>, vector<1x16xi32>,
      %get3A_240 = vector.shape_cast %get3A_239 : vector<1x16xi32> to vector<16xi32>
      %add3A_241 = arith.constant 1025 : i32
      %add3A_242 = vector.broadcast %add3A_241 : i32 to vector<16xi32>
      %add3A_243 = arith.addi %get3A_240, %add3A_242 : vector<16xi32>
      %swap3A_244 = arith.constant 5 : i32
      %swap3A_245 = arith.index_cast %swap3A_244 : i32 to index
      %swap3A_246 = arith.constant 0 : index
      %swap3A_247 = tpu.vector_load %arg5[%swap3A_245, %swap3A_246] {strides = array<i32>} : memref<15x128xi32, #tpu.memory_space<vmem>>, vector<1x16xi32>,
      %swap3A_248 = vector.shape_cast %swap3A_247 : vector<1x16xi32> to vector<16xi32>
      %swap3A_249 = vector.shape_cast %add3A_243 : vector<16xi32> to vector<1x16xi32>
      tpu.vector_store %arg5[%swap3A_245, %swap3A_246], %swap3A_249 {strides = array<i32>} : memref<15x128xi32, #tpu.memory_space<vmem>>, vector<1x16xi32>,
      %get3A_250 = arith.constant 5 : i32
      %get3A_251 = arith.index_cast %get3A_250 : i32 to index
      %get3A_252 = arith.constant 16 : index
      %get3A_253 = tpu.vector_load %arg5[%get3A_251, %get3A_252] {strides = array<i32>} : memref<15x128xi32, #tpu.memory_space<vmem>>, vector<1x16xi32>,
      %get3A_254 = vector.shape_cast %get3A_253 : vector<1x16xi32> to vector<16xi32>
      %add3A_255 = arith.constant 1025 : i32
      %add3A_256 = vector.broadcast %add3A_255 : i32 to vector<16xi32>
      %add3A_257 = arith.addi %get3A_254, %add3A_256 : vector<16xi32>
      %swap3A_258 = arith.constant 5 : i32
      %swap3A_259 = arith.index_cast %swap3A_258 : i32 to index
      %swap3A_260 = arith.constant 16 : index
      %swap3A_261 = tpu.vector_load %arg5[%swap3A_259, %swap3A_260] {strides = array<i32>} : memref<15x128xi32, #tpu.memory_space<vmem>>, vector<1x16xi32>,
      %swap3A_262 = vector.shape_cast %swap3A_261 : vector<1x16xi32> to vector<16xi32>
      %swap3A_263 = vector.shape_cast %add3A_257 : vector<16xi32> to vector<1x16xi32>
      tpu.vector_store %arg5[%swap3A_259, %swap3A_260], %swap3A_263 {strides = array<i32>} : memref<15x128xi32, #tpu.memory_space<vmem>>, vector<1x16xi32>,
      %get3A_264 = arith.constant 5 : i32
      %get3A_265 = arith.index_cast %get3A_264 : i32 to index
      %get3A_266 = arith.constant 32 : index
      %get3A_267 = tpu.vector_load %arg5[%get3A_265, %get3A_266] {strides = array<i32>} : memref<15x128xi32, #tpu.memory_space<vmem>>, vector<1x16xi32>,
      %get3A_268 = vector.shape_cast %get3A_267 : vector<1x16xi32> to vector<16xi32>
      %add3A_269 = arith.constant 1025 : i32
      %add3A_270 = vector.broadcast %add3A_269 : i32 to vector<16xi32>
      %add3A_271 = arith.addi %get3A_268, %add3A_270 : vector<16xi32>
      %swap3A_272 = arith.constant 5 : i32
      %swap3A_273 = arith.index_cast %swap3A_272 : i32 to index
      %swap3A_274 = arith.constant 32 : index
      %swap3A_275 = tpu.vector_load %arg5[%swap3A_273, %swap3A_274] {strides = array<i32>} : memref<15x128xi32, #tpu.memory_space<vmem>>, vector<1x16xi32>,
      %swap3A_276 = vector.shape_cast %swap3A_275 : vector<1x16xi32> to vector<16xi32>
      %swap3A_277 = vector.shape_cast %add3A_271 : vector<16xi32> to vector<1x16xi32>
      tpu.vector_store %arg5[%swap3A_273, %swap3A_274], %swap3A_277 {strides = array<i32>} : memref<15x128xi32, #tpu.memory_space<vmem>>, vector<1x16xi32>,
      %get3A_278 = arith.constant 5 : i32
      %get3A_279 = arith.index_cast %get3A_278 : i32 to index
      %get3A_280 = arith.constant 48 : index
      %get3A_281 = tpu.vector_load %arg5[%get3A_279, %get3A_280] {strides = array<i32>} : memref<15x128xi32, #tpu.memory_space<vmem>>, vector<1x16xi32>,
      %get3A_282 = vector.shape_cast %get3A_281 : vector<1x16xi32> to vector<16xi32>
      %add3A_283 = arith.constant 1025 : i32
      %add3A_284 = vector.broadcast %add3A_283 : i32 to vector<16xi32>
      %add3A_285 = arith.addi %get3A_282, %add3A_284 : vector<16xi32>
      %swap3A_286 = arith.constant 5 : i32
      %swap3A_287 = arith.index_cast %swap3A_286 : i32 to index
      %swap3A_288 = arith.constant 48 : index
      %swap3A_289 = tpu.vector_load %arg5[%swap3A_287, %swap3A_288] {strides = array<i32>} : memref<15x128xi32, #tpu.memory_space<vmem>>, vector<1x16xi32>,
      %swap3A_290 = vector.shape_cast %swap3A_289 : vector<1x16xi32> to vector<16xi32>
      %swap3A_291 = vector.shape_cast %add3A_285 : vector<16xi32> to vector<1x16xi32>
      tpu.vector_store %arg5[%swap3A_287, %swap3A_288], %swap3A_291 {strides = array<i32>} : memref<15x128xi32, #tpu.memory_space<vmem>>, vector<1x16xi32>,
      %get3A_292 = arith.constant 5 : i32
      %get3A_293 = arith.index_cast %get3A_292 : i32 to index
      %get3A_294 = arith.constant 64 : index
      %get3A_295 = tpu.vector_load %arg5[%get3A_293, %get3A_294] {strides = array<i32>} : memref<15x128xi32, #tpu.memory_space<vmem>>, vector<1x16xi32>,
      %get3A_296 = vector.shape_cast %get3A_295 : vector<1x16xi32> to vector<16xi32>
      %add3A_297 = arith.constant 1025 : i32
      %add3A_298 = vector.broadcast %add3A_297 : i32 to vector<16xi32>
      %add3A_299 = arith.addi %get3A_296, %add3A_298 : vector<16xi32>
      %swap3A_300 = arith.constant 5 : i32
      %swap3A_301 = arith.index_cast %swap3A_300 : i32 to index
      %swap3A_302 = arith.constant 64 : index
      %swap3A_303 = tpu.vector_load %arg5[%swap3A_301, %swap3A_302] {strides = array<i32>} : memref<15x128xi32, #tpu.memory_space<vmem>>, vector<1x16xi32>,
      %swap3A_304 = vector.shape_cast %swap3A_303 : vector<1x16xi32> to vector<16xi32>
      %swap3A_305 = vector.shape_cast %add3A_299 : vector<16xi32> to vector<1x16xi32>
      tpu.vector_store %arg5[%swap3A_301, %swap3A_302], %swap3A_305 {strides = array<i32>} : memref<15x128xi32, #tpu.memory_space<vmem>>, vector<1x16xi32>,
      %get3A_306 = arith.constant 5 : i32
      %get3A_307 = arith.index_cast %get3A_306 : i32 to index
      %get3A_308 = arith.constant 80 : index
      %get3A_309 = tpu.vector_load %arg5[%get3A_307, %get3A_308] {strides = array<i32>} : memref<15x128xi32, #tpu.memory_space<vmem>>, vector<1x16xi32>,
      %get3A_310 = vector.shape_cast %get3A_309 : vector<1x16xi32> to vector<16xi32>
      %add3A_311 = arith.constant 1025 : i32
      %add3A_312 = vector.broadcast %add3A_311 : i32 to vector<16xi32>
      %add3A_313 = arith.addi %get3A_310, %add3A_312 : vector<16xi32>
      %swap3A_314 = arith.constant 5 : i32
      %swap3A_315 = arith.index_cast %swap3A_314 : i32 to index
      %swap3A_316 = arith.constant 80 : index
      %swap3A_317 = tpu.vector_load %arg5[%swap3A_315, %swap3A_316] {strides = array<i32>} : memref<15x128xi32, #tpu.memory_space<vmem>>, vector<1x16xi32>,
      %swap3A_318 = vector.shape_cast %swap3A_317 : vector<1x16xi32> to vector<16xi32>
      %swap3A_319 = vector.shape_cast %add3A_313 : vector<16xi32> to vector<1x16xi32>
      tpu.vector_store %arg5[%swap3A_315, %swap3A_316], %swap3A_319 {strides = array<i32>} : memref<15x128xi32, #tpu.memory_space<vmem>>, vector<1x16xi32>,
      %get3A_320 = arith.constant 5 : i32
      %get3A_321 = arith.index_cast %get3A_320 : i32 to index
      %get3A_322 = arith.constant 96 : index
      %get3A_323 = tpu.vector_load %arg5[%get3A_321, %get3A_322] {strides = array<i32>} : memref<15x128xi32, #tpu.memory_space<vmem>>, vector<1x16xi32>,
      %get3A_324 = vector.shape_cast %get3A_323 : vector<1x16xi32> to vector<16xi32>
      %add3A_325 = arith.constant 1025 : i32
      %add3A_326 = vector.broadcast %add3A_325 : i32 to vector<16xi32>
      %add3A_327 = arith.addi %get3A_324, %add3A_326 : vector<16xi32>
      %swap3A_328 = arith.constant 5 : i32
      %swap3A_329 = arith.index_cast %swap3A_328 : i32 to index
      %swap3A_330 = arith.constant 96 : index
      %swap3A_331 = tpu.vector_load %arg5[%swap3A_329, %swap3A_330] {strides = array<i32>} : memref<15x128xi32, #tpu.memory_space<vmem>>, vector<1x16xi32>,
      %swap3A_332 = vector.shape_cast %swap3A_331 : vector<1x16xi32> to vector<16xi32>
      %swap3A_333 = vector.shape_cast %add3A_327 : vector<16xi32> to vector<1x16xi32>
      tpu.vector_store %arg5[%swap3A_329, %swap3A_330], %swap3A_333 {strides = array<i32>} : memref<15x128xi32, #tpu.memory_space<vmem>>, vector<1x16xi32>,
      %get3A_334 = arith.constant 5 : i32
      %get3A_335 = arith.index_cast %get3A_334 : i32 to index
      %get3A_336 = arith.constant 112 : index
      %get3A_337 = tpu.vector_load %arg5[%get3A_335, %get3A_336] {strides = array<i32>} : memref<15x128xi32, #tpu.memory_space<vmem>>, vector<1x16xi32>,
      %get3A_338 = vector.shape_cast %get3A_337 : vector<1x16xi32> to vector<16xi32>
      %add3A_339 = arith.constant 1025 : i32
      %add3A_340 = vector.broadcast %add3A_339 : i32 to vector<16xi32>
      %add3A_341 = arith.addi %get3A_338, %add3A_340 : vector<16xi32>
      %swap3A_342 = arith.constant 5 : i32
      %swap3A_343 = arith.index_cast %swap3A_342 : i32 to index
      %swap3A_344 = arith.constant 112 : index
      %swap3A_345 = tpu.vector_load %arg5[%swap3A_343, %swap3A_344] {strides = array<i32>} : memref<15x128xi32, #tpu.memory_space<vmem>>, vector<1x16xi32>,
      %swap3A_346 = vector.shape_cast %swap3A_345 : vector<1x16xi32> to vector<16xi32>
      %swap3A_347 = vector.shape_cast %add3A_341 : vector<16xi32> to vector<1x16xi32>
      tpu.vector_store %arg5[%swap3A_343, %swap3A_344], %swap3A_347 {strides = array<i32>} : memref<15x128xi32, #tpu.memory_space<vmem>>, vector<1x16xi32>,
      %get3A_348 = arith.constant 6 : i32
      %get3A_349 = arith.index_cast %get3A_348 : i32 to index
      %get3A_350 = arith.constant 0 : index
      %get3A_351 = tpu.vector_load %arg5[%get3A_349, %get3A_350] {strides = array<i32>} : memref<15x128xi32, #tpu.memory_space<vmem>>, vector<1x16xi32>,
      %get3A_352 = vector.shape_cast %get3A_351 : vector<1x16xi32> to vector<16xi32>
      %add3A_353 = arith.constant 2050 : i32
      %add3A_354 = vector.broadcast %add3A_353 : i32 to vector<16xi32>
      %add3A_355 = arith.addi %get3A_352, %add3A_354 : vector<16xi32>
      %swap3A_356 = arith.constant 6 : i32
      %swap3A_357 = arith.index_cast %swap3A_356 : i32 to index
      %swap3A_358 = arith.constant 0 : index
      %swap3A_359 = tpu.vector_load %arg5[%swap3A_357, %swap3A_358] {strides = array<i32>} : memref<15x128xi32, #tpu.memory_space<vmem>>, vector<1x16xi32>,
      %swap3A_360 = vector.shape_cast %swap3A_359 : vector<1x16xi32> to vector<16xi32>
      %swap3A_361 = vector.shape_cast %add3A_355 : vector<16xi32> to vector<1x16xi32>
      tpu.vector_store %arg5[%swap3A_357, %swap3A_358], %swap3A_361 {strides = array<i32>} : memref<15x128xi32, #tpu.memory_space<vmem>>, vector<1x16xi32>,
      %get3A_362 = arith.constant 6 : i32
      %get3A_363 = arith.index_cast %get3A_362 : i32 to index
      %get3A_364 = arith.constant 16 : index
      %get3A_365 = tpu.vector_load %arg5[%get3A_363, %get3A_364] {strides = array<i32>} : memref<15x128xi32, #tpu.memory_space<vmem>>, vector<1x16xi32>,
      %get3A_366 = vector.shape_cast %get3A_365 : vector<1x16xi32> to vector<16xi32>
      %add3A_367 = arith.constant 2050 : i32
      %add3A_368 = vector.broadcast %add3A_367 : i32 to vector<16xi32>
      %add3A_369 = arith.addi %get3A_366, %add3A_368 : vector<16xi32>
      %swap3A_370 = arith.constant 6 : i32
      %swap3A_371 = arith.index_cast %swap3A_370 : i32 to index
      %swap3A_372 = arith.constant 16 : index
      %swap3A_373 = tpu.vector_load %arg5[%swap3A_371, %swap3A_372] {strides = array<i32>} : memref<15x128xi32, #tpu.memory_space<vmem>>, vector<1x16xi32>,
      %swap3A_374 = vector.shape_cast %swap3A_373 : vector<1x16xi32> to vector<16xi32>
      %swap3A_375 = vector.shape_cast %add3A_369 : vector<16xi32> to vector<1x16xi32>
      tpu.vector_store %arg5[%swap3A_371, %swap3A_372], %swap3A_375 {strides = array<i32>} : memref<15x128xi32, #tpu.memory_space<vmem>>, vector<1x16xi32>,
      %get3A_376 = arith.constant 6 : i32
      %get3A_377 = arith.index_cast %get3A_376 : i32 to index
      %get3A_378 = arith.constant 32 : index
      %get3A_379 = tpu.vector_load %arg5[%get3A_377, %get3A_378] {strides = array<i32>} : memref<15x128xi32, #tpu.memory_space<vmem>>, vector<1x16xi32>,
      %get3A_380 = vector.shape_cast %get3A_379 : vector<1x16xi32> to vector<16xi32>
      %add3A_381 = arith.constant 2050 : i32
      %add3A_382 = vector.broadcast %add3A_381 : i32 to vector<16xi32>
      %add3A_383 = arith.addi %get3A_380, %add3A_382 : vector<16xi32>
      %swap3A_384 = arith.constant 6 : i32
      %swap3A_385 = arith.index_cast %swap3A_384 : i32 to index
      %swap3A_386 = arith.constant 32 : index
      %swap3A_387 = tpu.vector_load %arg5[%swap3A_385, %swap3A_386] {strides = array<i32>} : memref<15x128xi32, #tpu.memory_space<vmem>>, vector<1x16xi32>,
      %swap3A_388 = vector.shape_cast %swap3A_387 : vector<1x16xi32> to vector<16xi32>
      %swap3A_389 = vector.shape_cast %add3A_383 : vector<16xi32> to vector<1x16xi32>
      tpu.vector_store %arg5[%swap3A_385, %swap3A_386], %swap3A_389 {strides = array<i32>} : memref<15x128xi32, #tpu.memory_space<vmem>>, vector<1x16xi32>,
      %get3A_390 = arith.constant 6 : i32
      %get3A_391 = arith.index_cast %get3A_390 : i32 to index
      %get3A_392 = arith.constant 48 : index
      %get3A_393 = tpu.vector_load %arg5[%get3A_391, %get3A_392] {strides = array<i32>} : memref<15x128xi32, #tpu.memory_space<vmem>>, vector<1x16xi32>,
      %get3A_394 = vector.shape_cast %get3A_393 : vector<1x16xi32> to vector<16xi32>
      %add3A_395 = arith.constant 2050 : i32
      %add3A_396 = vector.broadcast %add3A_395 : i32 to vector<16xi32>
      %add3A_397 = arith.addi %get3A_394, %add3A_396 : vector<16xi32>
      %swap3A_398 = arith.constant 6 : i32
      %swap3A_399 = arith.index_cast %swap3A_398 : i32 to index
      %swap3A_400 = arith.constant 48 : index
      %swap3A_401 = tpu.vector_load %arg5[%swap3A_399, %swap3A_400] {strides = array<i32>} : memref<15x128xi32, #tpu.memory_space<vmem>>, vector<1x16xi32>,
      %swap3A_402 = vector.shape_cast %swap3A_401 : vector<1x16xi32> to vector<16xi32>
      %swap3A_403 = vector.shape_cast %add3A_397 : vector<16xi32> to vector<1x16xi32>
      tpu.vector_store %arg5[%swap3A_399, %swap3A_400], %swap3A_403 {strides = array<i32>} : memref<15x128xi32, #tpu.memory_space<vmem>>, vector<1x16xi32>,
      %get3A_404 = arith.constant 6 : i32
      %get3A_405 = arith.index_cast %get3A_404 : i32 to index
      %get3A_406 = arith.constant 64 : index
      %get3A_407 = tpu.vector_load %arg5[%get3A_405, %get3A_406] {strides = array<i32>} : memref<15x128xi32, #tpu.memory_space<vmem>>, vector<1x16xi32>,
      %get3A_408 = vector.shape_cast %get3A_407 : vector<1x16xi32> to vector<16xi32>
      %add3A_409 = arith.constant 2050 : i32
      %add3A_410 = vector.broadcast %add3A_409 : i32 to vector<16xi32>
      %add3A_411 = arith.addi %get3A_408, %add3A_410 : vector<16xi32>
      %swap3A_412 = arith.constant 6 : i32
      %swap3A_413 = arith.index_cast %swap3A_412 : i32 to index
      %swap3A_414 = arith.constant 64 : index
      %swap3A_415 = tpu.vector_load %arg5[%swap3A_413, %swap3A_414] {strides = array<i32>} : memref<15x128xi32, #tpu.memory_space<vmem>>, vector<1x16xi32>,
      %swap3A_416 = vector.shape_cast %swap3A_415 : vector<1x16xi32> to vector<16xi32>
      %swap3A_417 = vector.shape_cast %add3A_411 : vector<16xi32> to vector<1x16xi32>
      tpu.vector_store %arg5[%swap3A_413, %swap3A_414], %swap3A_417 {strides = array<i32>} : memref<15x128xi32, #tpu.memory_space<vmem>>, vector<1x16xi32>,
      %get3A_418 = arith.constant 6 : i32
      %get3A_419 = arith.index_cast %get3A_418 : i32 to index
      %get3A_420 = arith.constant 80 : index
      %get3A_421 = tpu.vector_load %arg5[%get3A_419, %get3A_420] {strides = array<i32>} : memref<15x128xi32, #tpu.memory_space<vmem>>, vector<1x16xi32>,
      %get3A_422 = vector.shape_cast %get3A_421 : vector<1x16xi32> to vector<16xi32>
      %add3A_423 = arith.constant 2050 : i32
      %add3A_424 = vector.broadcast %add3A_423 : i32 to vector<16xi32>
      %add3A_425 = arith.addi %get3A_422, %add3A_424 : vector<16xi32>
      %swap3A_426 = arith.constant 6 : i32
      %swap3A_427 = arith.index_cast %swap3A_426 : i32 to index
      %swap3A_428 = arith.constant 80 : index
      %swap3A_429 = tpu.vector_load %arg5[%swap3A_427, %swap3A_428] {strides = array<i32>} : memref<15x128xi32, #tpu.memory_space<vmem>>, vector<1x16xi32>,
      %swap3A_430 = vector.shape_cast %swap3A_429 : vector<1x16xi32> to vector<16xi32>
      %swap3A_431 = vector.shape_cast %add3A_425 : vector<16xi32> to vector<1x16xi32>
      tpu.vector_store %arg5[%swap3A_427, %swap3A_428], %swap3A_431 {strides = array<i32>} : memref<15x128xi32, #tpu.memory_space<vmem>>, vector<1x16xi32>,
      %get3A_432 = arith.constant 6 : i32
      %get3A_433 = arith.index_cast %get3A_432 : i32 to index
      %get3A_434 = arith.constant 96 : index
      %get3A_435 = tpu.vector_load %arg5[%get3A_433, %get3A_434] {strides = array<i32>} : memref<15x128xi32, #tpu.memory_space<vmem>>, vector<1x16xi32>,
      %get3A_436 = vector.shape_cast %get3A_435 : vector<1x16xi32> to vector<16xi32>
      %add3A_437 = arith.constant 2050 : i32
      %add3A_438 = vector.broadcast %add3A_437 : i32 to vector<16xi32>
      %add3A_439 = arith.addi %get3A_436, %add3A_438 : vector<16xi32>
      %swap3A_440 = arith.constant 6 : i32
      %swap3A_441 = arith.index_cast %swap3A_440 : i32 to index
      %swap3A_442 = arith.constant 96 : index
      %swap3A_443 = tpu.vector_load %arg5[%swap3A_441, %swap3A_442] {strides = array<i32>} : memref<15x128xi32, #tpu.memory_space<vmem>>, vector<1x16xi32>,
      %swap3A_444 = vector.shape_cast %swap3A_443 : vector<1x16xi32> to vector<16xi32>
      %swap3A_445 = vector.shape_cast %add3A_439 : vector<16xi32> to vector<1x16xi32>
      tpu.vector_store %arg5[%swap3A_441, %swap3A_442], %swap3A_445 {strides = array<i32>} : memref<15x128xi32, #tpu.memory_space<vmem>>, vector<1x16xi32>,
      %get3A_446 = arith.constant 6 : i32
      %get3A_447 = arith.index_cast %get3A_446 : i32 to index
      %get3A_448 = arith.constant 112 : index
      %get3A_449 = tpu.vector_load %arg5[%get3A_447, %get3A_448] {strides = array<i32>} : memref<15x128xi32, #tpu.memory_space<vmem>>, vector<1x16xi32>,
      %get3A_450 = vector.shape_cast %get3A_449 : vector<1x16xi32> to vector<16xi32>
      %add3A_451 = arith.constant 2050 : i32
      %add3A_452 = vector.broadcast %add3A_451 : i32 to vector<16xi32>
      %add3A_453 = arith.addi %get3A_450, %add3A_452 : vector<16xi32>
      %swap3A_454 = arith.constant 6 : i32
      %swap3A_455 = arith.index_cast %swap3A_454 : i32 to index
      %swap3A_456 = arith.constant 112 : index
      %swap3A_457 = tpu.vector_load %arg5[%swap3A_455, %swap3A_456] {strides = array<i32>} : memref<15x128xi32, #tpu.memory_space<vmem>>, vector<1x16xi32>,
      %swap3A_458 = vector.shape_cast %swap3A_457 : vector<1x16xi32> to vector<16xi32>
      %swap3A_459 = vector.shape_cast %add3A_453 : vector<16xi32> to vector<1x16xi32>
      tpu.vector_store %arg5[%swap3A_455, %swap3A_456], %swap3A_459 {strides = array<i32>} : memref<15x128xi32, #tpu.memory_space<vmem>>, vector<1x16xi32>,
      %get3A_460 = arith.constant 7 : i32
      %get3A_461 = arith.index_cast %get3A_460 : i32 to index
      %get3A_462 = arith.constant 0 : index
      %get3A_463 = tpu.vector_load %arg5[%get3A_461, %get3A_462] {strides = array<i32>} : memref<15x128xi32, #tpu.memory_space<vmem>>, vector<1x16xi32>,
      %get3A_464 = vector.shape_cast %get3A_463 : vector<1x16xi32> to vector<16xi32>
      %add3A_465 = arith.constant 2050 : i32
      %add3A_466 = vector.broadcast %add3A_465 : i32 to vector<16xi32>
      %add3A_467 = arith.addi %get3A_464, %add3A_466 : vector<16xi32>
      %swap3A_468 = arith.constant 7 : i32
      %swap3A_469 = arith.index_cast %swap3A_468 : i32 to index
      %swap3A_470 = arith.constant 0 : index
      %swap3A_471 = tpu.vector_load %arg5[%swap3A_469, %swap3A_470] {strides = array<i32>} : memref<15x128xi32, #tpu.memory_space<vmem>>, vector<1x16xi32>,
      %swap3A_472 = vector.shape_cast %swap3A_471 : vector<1x16xi32> to vector<16xi32>
      %swap3A_473 = vector.shape_cast %add3A_467 : vector<16xi32> to vector<1x16xi32>
      tpu.vector_store %arg5[%swap3A_469, %swap3A_470], %swap3A_473 {strides = array<i32>} : memref<15x128xi32, #tpu.memory_space<vmem>>, vector<1x16xi32>,
      %get3A_474 = arith.constant 7 : i32
      %get3A_475 = arith.index_cast %get3A_474 : i32 to index
      %get3A_476 = arith.constant 16 : index
      %get3A_477 = tpu.vector_load %arg5[%get3A_475, %get3A_476] {strides = array<i32>} : memref<15x128xi32, #tpu.memory_space<vmem>>, vector<1x16xi32>,
      %get3A_478 = vector.shape_cast %get3A_477 : vector<1x16xi32> to vector<16xi32>
      %add3A_479 = arith.constant 2050 : i32
      %add3A_480 = vector.broadcast %add3A_479 : i32 to vector<16xi32>
      %add3A_481 = arith.addi %get3A_478, %add3A_480 : vector<16xi32>
      %swap3A_482 = arith.constant 7 : i32
      %swap3A_483 = arith.index_cast %swap3A_482 : i32 to index
      %swap3A_484 = arith.constant 16 : index
      %swap3A_485 = tpu.vector_load %arg5[%swap3A_483, %swap3A_484] {strides = array<i32>} : memref<15x128xi32, #tpu.memory_space<vmem>>, vector<1x16xi32>,
      %swap3A_486 = vector.shape_cast %swap3A_485 : vector<1x16xi32> to vector<16xi32>
      %swap3A_487 = vector.shape_cast %add3A_481 : vector<16xi32> to vector<1x16xi32>
      tpu.vector_store %arg5[%swap3A_483, %swap3A_484], %swap3A_487 {strides = array<i32>} : memref<15x128xi32, #tpu.memory_space<vmem>>, vector<1x16xi32>,
      %get3A_488 = arith.constant 7 : i32
      %get3A_489 = arith.index_cast %get3A_488 : i32 to index
      %get3A_490 = arith.constant 32 : index
      %get3A_491 = tpu.vector_load %arg5[%get3A_489, %get3A_490] {strides = array<i32>} : memref<15x128xi32, #tpu.memory_space<vmem>>, vector<1x16xi32>,
      %get3A_492 = vector.shape_cast %get3A_491 : vector<1x16xi32> to vector<16xi32>
      %add3A_493 = arith.constant 2050 : i32
      %add3A_494 = vector.broadcast %add3A_493 : i32 to vector<16xi32>
      %add3A_495 = arith.addi %get3A_492, %add3A_494 : vector<16xi32>
      %swap3A_496 = arith.constant 7 : i32
      %swap3A_497 = arith.index_cast %swap3A_496 : i32 to index
      %swap3A_498 = arith.constant 32 : index
      %swap3A_499 = tpu.vector_load %arg5[%swap3A_497, %swap3A_498] {strides = array<i32>} : memref<15x128xi32, #tpu.memory_space<vmem>>, vector<1x16xi32>,
      %swap3A_500 = vector.shape_cast %swap3A_499 : vector<1x16xi32> to vector<16xi32>
      %swap3A_501 = vector.shape_cast %add3A_495 : vector<16xi32> to vector<1x16xi32>
      tpu.vector_store %arg5[%swap3A_497, %swap3A_498], %swap3A_501 {strides = array<i32>} : memref<15x128xi32, #tpu.memory_space<vmem>>, vector<1x16xi32>,
      %get3A_502 = arith.constant 7 : i32
      %get3A_503 = arith.index_cast %get3A_502 : i32 to index
      %get3A_504 = arith.constant 48 : index
      %get3A_505 = tpu.vector_load %arg5[%get3A_503, %get3A_504] {strides = array<i32>} : memref<15x128xi32, #tpu.memory_space<vmem>>, vector<1x16xi32>,
      %get3A_506 = vector.shape_cast %get3A_505 : vector<1x16xi32> to vector<16xi32>
      %add3A_507 = arith.constant 2050 : i32
      %add3A_508 = vector.broadcast %add3A_507 : i32 to vector<16xi32>
      %add3A_509 = arith.addi %get3A_506, %add3A_508 : vector<16xi32>
      %swap3A_510 = arith.constant 7 : i32
      %swap3A_511 = arith.index_cast %swap3A_510 : i32 to index
      %swap3A_512 = arith.constant 48 : index
      %swap3A_513 = tpu.vector_load %arg5[%swap3A_511, %swap3A_512] {strides = array<i32>} : memref<15x128xi32, #tpu.memory_space<vmem>>, vector<1x16xi32>,
      %swap3A_514 = vector.shape_cast %swap3A_513 : vector<1x16xi32> to vector<16xi32>
      %swap3A_515 = vector.shape_cast %add3A_509 : vector<16xi32> to vector<1x16xi32>
      tpu.vector_store %arg5[%swap3A_511, %swap3A_512], %swap3A_515 {strides = array<i32>} : memref<15x128xi32, #tpu.memory_space<vmem>>, vector<1x16xi32>,
      %get3A_516 = arith.constant 7 : i32
      %get3A_517 = arith.index_cast %get3A_516 : i32 to index
      %get3A_518 = arith.constant 64 : index
      %get3A_519 = tpu.vector_load %arg5[%get3A_517, %get3A_518] {strides = array<i32>} : memref<15x128xi32, #tpu.memory_space<vmem>>, vector<1x16xi32>,
      %get3A_520 = vector.shape_cast %get3A_519 : vector<1x16xi32> to vector<16xi32>
      %add3A_521 = arith.constant 2050 : i32
      %add3A_522 = vector.broadcast %add3A_521 : i32 to vector<16xi32>
      %add3A_523 = arith.addi %get3A_520, %add3A_522 : vector<16xi32>
      %swap3A_524 = arith.constant 7 : i32
      %swap3A_525 = arith.index_cast %swap3A_524 : i32 to index
      %swap3A_526 = arith.constant 64 : index
      %swap3A_527 = tpu.vector_load %arg5[%swap3A_525, %swap3A_526] {strides = array<i32>} : memref<15x128xi32, #tpu.memory_space<vmem>>, vector<1x16xi32>,
      %swap3A_528 = vector.shape_cast %swap3A_527 : vector<1x16xi32> to vector<16xi32>
      %swap3A_529 = vector.shape_cast %add3A_523 : vector<16xi32> to vector<1x16xi32>
      tpu.vector_store %arg5[%swap3A_525, %swap3A_526], %swap3A_529 {strides = array<i32>} : memref<15x128xi32, #tpu.memory_space<vmem>>, vector<1x16xi32>,
      %get3A_530 = arith.constant 7 : i32
      %get3A_531 = arith.index_cast %get3A_530 : i32 to index
      %get3A_532 = arith.constant 80 : index
      %get3A_533 = tpu.vector_load %arg5[%get3A_531, %get3A_532] {strides = array<i32>} : memref<15x128xi32, #tpu.memory_space<vmem>>, vector<1x16xi32>,
      %get3A_534 = vector.shape_cast %get3A_533 : vector<1x16xi32> to vector<16xi32>
      %add3A_535 = arith.constant 2050 : i32
      %add3A_536 = vector.broadcast %add3A_535 : i32 to vector<16xi32>
      %add3A_537 = arith.addi %get3A_534, %add3A_536 : vector<16xi32>
      %swap3A_538 = arith.constant 7 : i32
      %swap3A_539 = arith.index_cast %swap3A_538 : i32 to index
      %swap3A_540 = arith.constant 80 : index
      %swap3A_541 = tpu.vector_load %arg5[%swap3A_539, %swap3A_540] {strides = array<i32>} : memref<15x128xi32, #tpu.memory_space<vmem>>, vector<1x16xi32>,
      %swap3A_542 = vector.shape_cast %swap3A_541 : vector<1x16xi32> to vector<16xi32>
      %swap3A_543 = vector.shape_cast %add3A_537 : vector<16xi32> to vector<1x16xi32>
      tpu.vector_store %arg5[%swap3A_539, %swap3A_540], %swap3A_543 {strides = array<i32>} : memref<15x128xi32, #tpu.memory_space<vmem>>, vector<1x16xi32>,
      %get3A_544 = arith.constant 7 : i32
      %get3A_545 = arith.index_cast %get3A_544 : i32 to index
      %get3A_546 = arith.constant 96 : index
      %get3A_547 = tpu.vector_load %arg5[%get3A_545, %get3A_546] {strides = array<i32>} : memref<15x128xi32, #tpu.memory_space<vmem>>, vector<1x16xi32>,
      %get3A_548 = vector.shape_cast %get3A_547 : vector<1x16xi32> to vector<16xi32>
      %add3A_549 = arith.constant 2050 : i32
      %add3A_550 = vector.broadcast %add3A_549 : i32 to vector<16xi32>
      %add3A_551 = arith.addi %get3A_548, %add3A_550 : vector<16xi32>
      %swap3A_552 = arith.constant 7 : i32
      %swap3A_553 = arith.index_cast %swap3A_552 : i32 to index
      %swap3A_554 = arith.constant 96 : index
      %swap3A_555 = tpu.vector_load %arg5[%swap3A_553, %swap3A_554] {strides = array<i32>} : memref<15x128xi32, #tpu.memory_space<vmem>>, vector<1x16xi32>,
      %swap3A_556 = vector.shape_cast %swap3A_555 : vector<1x16xi32> to vector<16xi32>
      %swap3A_557 = vector.shape_cast %add3A_551 : vector<16xi32> to vector<1x16xi32>
      tpu.vector_store %arg5[%swap3A_553, %swap3A_554], %swap3A_557 {strides = array<i32>} : memref<15x128xi32, #tpu.memory_space<vmem>>, vector<1x16xi32>,
      %get3A_558 = arith.constant 7 : i32
      %get3A_559 = arith.index_cast %get3A_558 : i32 to index
      %get3A_560 = arith.constant 112 : index
      %get3A_561 = tpu.vector_load %arg5[%get3A_559, %get3A_560] {strides = array<i32>} : memref<15x128xi32, #tpu.memory_space<vmem>>, vector<1x16xi32>,
      %get3A_562 = vector.shape_cast %get3A_561 : vector<1x16xi32> to vector<16xi32>
      %add3A_563 = arith.constant 2050 : i32
      %add3A_564 = vector.broadcast %add3A_563 : i32 to vector<16xi32>
      %add3A_565 = arith.addi %get3A_562, %add3A_564 : vector<16xi32>
      %swap3A_566 = arith.constant 7 : i32
      %swap3A_567 = arith.index_cast %swap3A_566 : i32 to index
      %swap3A_568 = arith.constant 112 : index
      %swap3A_569 = tpu.vector_load %arg5[%swap3A_567, %swap3A_568] {strides = array<i32>} : memref<15x128xi32, #tpu.memory_space<vmem>>, vector<1x16xi32>,
      %swap3A_570 = vector.shape_cast %swap3A_569 : vector<1x16xi32> to vector<16xi32>
      %swap3A_571 = vector.shape_cast %add3A_565 : vector<16xi32> to vector<1x16xi32>
      tpu.vector_store %arg5[%swap3A_567, %swap3A_568], %swap3A_571 {strides = array<i32>} : memref<15x128xi32, #tpu.memory_space<vmem>>, vector<1x16xi32>,
      %get3A_572 = arith.constant 8 : i32
      %get3A_573 = arith.index_cast %get3A_572 : i32 to index
      %get3A_574 = arith.constant 0 : index
      %get3A_575 = tpu.vector_load %arg5[%get3A_573, %get3A_574] {strides = array<i32>} : memref<15x128xi32, #tpu.memory_space<vmem>>, vector<1x16xi32>,
      %get3A_576 = vector.shape_cast %get3A_575 : vector<1x16xi32> to vector<16xi32>
      %add3A_577 = arith.constant 2050 : i32
      %add3A_578 = vector.broadcast %add3A_577 : i32 to vector<16xi32>
      %add3A_579 = arith.addi %get3A_576, %add3A_578 : vector<16xi32>
      %swap3A_580 = arith.constant 8 : i32
      %swap3A_581 = arith.index_cast %swap3A_580 : i32 to index
      %swap3A_582 = arith.constant 0 : index
      %swap3A_583 = tpu.vector_load %arg5[%swap3A_581, %swap3A_582] {strides = array<i32>} : memref<15x128xi32, #tpu.memory_space<vmem>>, vector<1x16xi32>,
      %swap3A_584 = vector.shape_cast %swap3A_583 : vector<1x16xi32> to vector<16xi32>
      %swap3A_585 = vector.shape_cast %add3A_579 : vector<16xi32> to vector<1x16xi32>
      tpu.vector_store %arg5[%swap3A_581, %swap3A_582], %swap3A_585 {strides = array<i32>} : memref<15x128xi32, #tpu.memory_space<vmem>>, vector<1x16xi32>,
      %get3A_586 = arith.constant 8 : i32
      %get3A_587 = arith.index_cast %get3A_586 : i32 to index
      %get3A_588 = arith.constant 16 : index
      %get3A_589 = tpu.vector_load %arg5[%get3A_587, %get3A_588] {strides = array<i32>} : memref<15x128xi32, #tpu.memory_space<vmem>>, vector<1x16xi32>,
      %get3A_590 = vector.shape_cast %get3A_589 : vector<1x16xi32> to vector<16xi32>
      %add3A_591 = arith.constant 2050 : i32
      %add3A_592 = vector.broadcast %add3A_591 : i32 to vector<16xi32>
      %add3A_593 = arith.addi %get3A_590, %add3A_592 : vector<16xi32>
      %swap3A_594 = arith.constant 8 : i32
      %swap3A_595 = arith.index_cast %swap3A_594 : i32 to index
      %swap3A_596 = arith.constant 16 : index
      %swap3A_597 = tpu.vector_load %arg5[%swap3A_595, %swap3A_596] {strides = array<i32>} : memref<15x128xi32, #tpu.memory_space<vmem>>, vector<1x16xi32>,
      %swap3A_598 = vector.shape_cast %swap3A_597 : vector<1x16xi32> to vector<16xi32>
      %swap3A_599 = vector.shape_cast %add3A_593 : vector<16xi32> to vector<1x16xi32>
      tpu.vector_store %arg5[%swap3A_595, %swap3A_596], %swap3A_599 {strides = array<i32>} : memref<15x128xi32, #tpu.memory_space<vmem>>, vector<1x16xi32>,
      %get3A_600 = arith.constant 8 : i32
      %get3A_601 = arith.index_cast %get3A_600 : i32 to index
      %get3A_602 = arith.constant 32 : index
      %get3A_603 = tpu.vector_load %arg5[%get3A_601, %get3A_602] {strides = array<i32>} : memref<15x128xi32, #tpu.memory_space<vmem>>, vector<1x16xi32>,
      %get3A_604 = vector.shape_cast %get3A_603 : vector<1x16xi32> to vector<16xi32>
      %add3A_605 = arith.constant 2050 : i32
      %add3A_606 = vector.broadcast %add3A_605 : i32 to vector<16xi32>
      %add3A_607 = arith.addi %get3A_604, %add3A_606 : vector<16xi32>
      %swap3A_608 = arith.constant 8 : i32
      %swap3A_609 = arith.index_cast %swap3A_608 : i32 to index
      %swap3A_610 = arith.constant 32 : index
      %swap3A_611 = tpu.vector_load %arg5[%swap3A_609, %swap3A_610] {strides = array<i32>} : memref<15x128xi32, #tpu.memory_space<vmem>>, vector<1x16xi32>,
      %swap3A_612 = vector.shape_cast %swap3A_611 : vector<1x16xi32> to vector<16xi32>
      %swap3A_613 = vector.shape_cast %add3A_607 : vector<16xi32> to vector<1x16xi32>
      tpu.vector_store %arg5[%swap3A_609, %swap3A_610], %swap3A_613 {strides = array<i32>} : memref<15x128xi32, #tpu.memory_space<vmem>>, vector<1x16xi32>,
      %get3A_614 = arith.constant 8 : i32
      %get3A_615 = arith.index_cast %get3A_614 : i32 to index
      %get3A_616 = arith.constant 48 : index
      %get3A_617 = tpu.vector_load %arg5[%get3A_615, %get3A_616] {strides = array<i32>} : memref<15x128xi32, #tpu.memory_space<vmem>>, vector<1x16xi32>,
      %get3A_618 = vector.shape_cast %get3A_617 : vector<1x16xi32> to vector<16xi32>
      %add3A_619 = arith.constant 2050 : i32
      %add3A_620 = vector.broadcast %add3A_619 : i32 to vector<16xi32>
      %add3A_621 = arith.addi %get3A_618, %add3A_620 : vector<16xi32>
      %swap3A_622 = arith.constant 8 : i32
      %swap3A_623 = arith.index_cast %swap3A_622 : i32 to index
      %swap3A_624 = arith.constant 48 : index
      %swap3A_625 = tpu.vector_load %arg5[%swap3A_623, %swap3A_624] {strides = array<i32>} : memref<15x128xi32, #tpu.memory_space<vmem>>, vector<1x16xi32>,
      %swap3A_626 = vector.shape_cast %swap3A_625 : vector<1x16xi32> to vector<16xi32>
      %swap3A_627 = vector.shape_cast %add3A_621 : vector<16xi32> to vector<1x16xi32>
      tpu.vector_store %arg5[%swap3A_623, %swap3A_624], %swap3A_627 {strides = array<i32>} : memref<15x128xi32, #tpu.memory_space<vmem>>, vector<1x16xi32>,
      %get3A_628 = arith.constant 8 : i32
      %get3A_629 = arith.index_cast %get3A_628 : i32 to index
      %get3A_630 = arith.constant 64 : index
      %get3A_631 = tpu.vector_load %arg5[%get3A_629, %get3A_630] {strides = array<i32>} : memref<15x128xi32, #tpu.memory_space<vmem>>, vector<1x16xi32>,
      %get3A_632 = vector.shape_cast %get3A_631 : vector<1x16xi32> to vector<16xi32>
      %add3A_633 = arith.constant 2050 : i32
      %add3A_634 = vector.broadcast %add3A_633 : i32 to vector<16xi32>
      %add3A_635 = arith.addi %get3A_632, %add3A_634 : vector<16xi32>
      %swap3A_636 = arith.constant 8 : i32
      %swap3A_637 = arith.index_cast %swap3A_636 : i32 to index
      %swap3A_638 = arith.constant 64 : index
      %swap3A_639 = tpu.vector_load %arg5[%swap3A_637, %swap3A_638] {strides = array<i32>} : memref<15x128xi32, #tpu.memory_space<vmem>>, vector<1x16xi32>,
      %swap3A_640 = vector.shape_cast %swap3A_639 : vector<1x16xi32> to vector<16xi32>
      %swap3A_641 = vector.shape_cast %add3A_635 : vector<16xi32> to vector<1x16xi32>
      tpu.vector_store %arg5[%swap3A_637, %swap3A_638], %swap3A_641 {strides = array<i32>} : memref<15x128xi32, #tpu.memory_space<vmem>>, vector<1x16xi32>,
      %get3A_642 = arith.constant 8 : i32
      %get3A_643 = arith.index_cast %get3A_642 : i32 to index
      %get3A_644 = arith.constant 80 : index
      %get3A_645 = tpu.vector_load %arg5[%get3A_643, %get3A_644] {strides = array<i32>} : memref<15x128xi32, #tpu.memory_space<vmem>>, vector<1x16xi32>,
      %get3A_646 = vector.shape_cast %get3A_645 : vector<1x16xi32> to vector<16xi32>
      %add3A_647 = arith.constant 2050 : i32
      %add3A_648 = vector.broadcast %add3A_647 : i32 to vector<16xi32>
      %add3A_649 = arith.addi %get3A_646, %add3A_648 : vector<16xi32>
      %swap3A_650 = arith.constant 8 : i32
      %swap3A_651 = arith.index_cast %swap3A_650 : i32 to index
      %swap3A_652 = arith.constant 80 : index
      %swap3A_653 = tpu.vector_load %arg5[%swap3A_651, %swap3A_652] {strides = array<i32>} : memref<15x128xi32, #tpu.memory_space<vmem>>, vector<1x16xi32>,
      %swap3A_654 = vector.shape_cast %swap3A_653 : vector<1x16xi32> to vector<16xi32>
      %swap3A_655 = vector.shape_cast %add3A_649 : vector<16xi32> to vector<1x16xi32>
      tpu.vector_store %arg5[%swap3A_651, %swap3A_652], %swap3A_655 {strides = array<i32>} : memref<15x128xi32, #tpu.memory_space<vmem>>, vector<1x16xi32>,
      %get3A_656 = arith.constant 8 : i32
      %get3A_657 = arith.index_cast %get3A_656 : i32 to index
      %get3A_658 = arith.constant 96 : index
      %get3A_659 = tpu.vector_load %arg5[%get3A_657, %get3A_658] {strides = array<i32>} : memref<15x128xi32, #tpu.memory_space<vmem>>, vector<1x16xi32>,
      %get3A_660 = vector.shape_cast %get3A_659 : vector<1x16xi32> to vector<16xi32>
      %add3A_661 = arith.constant 2050 : i32
      %add3A_662 = vector.broadcast %add3A_661 : i32 to vector<16xi32>
      %add3A_663 = arith.addi %get3A_660, %add3A_662 : vector<16xi32>
      %swap3A_664 = arith.constant 8 : i32
      %swap3A_665 = arith.index_cast %swap3A_664 : i32 to index
      %swap3A_666 = arith.constant 96 : index
      %swap3A_667 = tpu.vector_load %arg5[%swap3A_665, %swap3A_666] {strides = array<i32>} : memref<15x128xi32, #tpu.memory_space<vmem>>, vector<1x16xi32>,
      %swap3A_668 = vector.shape_cast %swap3A_667 : vector<1x16xi32> to vector<16xi32>
      %swap3A_669 = vector.shape_cast %add3A_663 : vector<16xi32> to vector<1x16xi32>
      tpu.vector_store %arg5[%swap3A_665, %swap3A_666], %swap3A_669 {strides = array<i32>} : memref<15x128xi32, #tpu.memory_space<vmem>>, vector<1x16xi32>,
      %get3A_670 = arith.constant 8 : i32
      %get3A_671 = arith.index_cast %get3A_670 : i32 to index
      %get3A_672 = arith.constant 112 : index
      %get3A_673 = tpu.vector_load %arg5[%get3A_671, %get3A_672] {strides = array<i32>} : memref<15x128xi32, #tpu.memory_space<vmem>>, vector<1x16xi32>,
      %get3A_674 = vector.shape_cast %get3A_673 : vector<1x16xi32> to vector<16xi32>
      %add3A_675 = arith.constant 2050 : i32
      %add3A_676 = vector.broadcast %add3A_675 : i32 to vector<16xi32>
      %add3A_677 = arith.addi %get3A_674, %add3A_676 : vector<16xi32>
      %swap3A_678 = arith.constant 8 : i32
      %swap3A_679 = arith.index_cast %swap3A_678 : i32 to index
      %swap3A_680 = arith.constant 112 : index
      %swap3A_681 = tpu.vector_load %arg5[%swap3A_679, %swap3A_680] {strides = array<i32>} : memref<15x128xi32, #tpu.memory_space<vmem>>, vector<1x16xi32>,
      %swap3A_682 = vector.shape_cast %swap3A_681 : vector<1x16xi32> to vector<16xi32>
      %swap3A_683 = vector.shape_cast %add3A_677 : vector<16xi32> to vector<1x16xi32>
      tpu.vector_store %arg5[%swap3A_679, %swap3A_680], %swap3A_683 {strides = array<i32>} : memref<15x128xi32, #tpu.memory_space<vmem>>, vector<1x16xi32>,
      %get3A_684 = arith.constant 9 : i32
      %get3A_685 = arith.index_cast %get3A_684 : i32 to index
      %get3A_686 = arith.constant 0 : index
      %get3A_687 = tpu.vector_load %arg5[%get3A_685, %get3A_686] {strides = array<i32>} : memref<15x128xi32, #tpu.memory_space<vmem>>, vector<1x16xi32>,
      %get3A_688 = vector.shape_cast %get3A_687 : vector<1x16xi32> to vector<16xi32>
      %add3A_689 = arith.constant 3075 : i32
      %add3A_690 = vector.broadcast %add3A_689 : i32 to vector<16xi32>
      %add3A_691 = arith.addi %get3A_688, %add3A_690 : vector<16xi32>
      %swap3A_692 = arith.constant 9 : i32
      %swap3A_693 = arith.index_cast %swap3A_692 : i32 to index
      %swap3A_694 = arith.constant 0 : index
      %swap3A_695 = tpu.vector_load %arg5[%swap3A_693, %swap3A_694] {strides = array<i32>} : memref<15x128xi32, #tpu.memory_space<vmem>>, vector<1x16xi32>,
      %swap3A_696 = vector.shape_cast %swap3A_695 : vector<1x16xi32> to vector<16xi32>
      %swap3A_697 = vector.shape_cast %add3A_691 : vector<16xi32> to vector<1x16xi32>
      tpu.vector_store %arg5[%swap3A_693, %swap3A_694], %swap3A_697 {strides = array<i32>} : memref<15x128xi32, #tpu.memory_space<vmem>>, vector<1x16xi32>,
      %get3A_698 = arith.constant 9 : i32
      %get3A_699 = arith.index_cast %get3A_698 : i32 to index
      %get3A_700 = arith.constant 16 : index
      %get3A_701 = tpu.vector_load %arg5[%get3A_699, %get3A_700] {strides = array<i32>} : memref<15x128xi32, #tpu.memory_space<vmem>>, vector<1x16xi32>,
      %get3A_702 = vector.shape_cast %get3A_701 : vector<1x16xi32> to vector<16xi32>
      %add3A_703 = arith.constant 3075 : i32
      %add3A_704 = vector.broadcast %add3A_703 : i32 to vector<16xi32>
      %add3A_705 = arith.addi %get3A_702, %add3A_704 : vector<16xi32>
      %swap3A_706 = arith.constant 9 : i32
      %swap3A_707 = arith.index_cast %swap3A_706 : i32 to index
      %swap3A_708 = arith.constant 16 : index
      %swap3A_709 = tpu.vector_load %arg5[%swap3A_707, %swap3A_708] {strides = array<i32>} : memref<15x128xi32, #tpu.memory_space<vmem>>, vector<1x16xi32>,
      %swap3A_710 = vector.shape_cast %swap3A_709 : vector<1x16xi32> to vector<16xi32>
      %swap3A_711 = vector.shape_cast %add3A_705 : vector<16xi32> to vector<1x16xi32>
      tpu.vector_store %arg5[%swap3A_707, %swap3A_708], %swap3A_711 {strides = array<i32>} : memref<15x128xi32, #tpu.memory_space<vmem>>, vector<1x16xi32>,
      %get3A_712 = arith.constant 9 : i32
      %get3A_713 = arith.index_cast %get3A_712 : i32 to index
      %get3A_714 = arith.constant 32 : index
      %get3A_715 = tpu.vector_load %arg5[%get3A_713, %get3A_714] {strides = array<i32>} : memref<15x128xi32, #tpu.memory_space<vmem>>, vector<1x16xi32>,
      %get3A_716 = vector.shape_cast %get3A_715 : vector<1x16xi32> to vector<16xi32>
      %add3A_717 = arith.constant 3075 : i32
      %add3A_718 = vector.broadcast %add3A_717 : i32 to vector<16xi32>
      %add3A_719 = arith.addi %get3A_716, %add3A_718 : vector<16xi32>
      %swap3A_720 = arith.constant 9 : i32
      %swap3A_721 = arith.index_cast %swap3A_720 : i32 to index
      %swap3A_722 = arith.constant 32 : index
      %swap3A_723 = tpu.vector_load %arg5[%swap3A_721, %swap3A_722] {strides = array<i32>} : memref<15x128xi32, #tpu.memory_space<vmem>>, vector<1x16xi32>,
      %swap3A_724 = vector.shape_cast %swap3A_723 : vector<1x16xi32> to vector<16xi32>
      %swap3A_725 = vector.shape_cast %add3A_719 : vector<16xi32> to vector<1x16xi32>
      tpu.vector_store %arg5[%swap3A_721, %swap3A_722], %swap3A_725 {strides = array<i32>} : memref<15x128xi32, #tpu.memory_space<vmem>>, vector<1x16xi32>,
      %get3A_726 = arith.constant 9 : i32
      %get3A_727 = arith.index_cast %get3A_726 : i32 to index
      %get3A_728 = arith.constant 48 : index
      %get3A_729 = tpu.vector_load %arg5[%get3A_727, %get3A_728] {strides = array<i32>} : memref<15x128xi32, #tpu.memory_space<vmem>>, vector<1x16xi32>,
      %get3A_730 = vector.shape_cast %get3A_729 : vector<1x16xi32> to vector<16xi32>
      %add3A_731 = arith.constant 3075 : i32
      %add3A_732 = vector.broadcast %add3A_731 : i32 to vector<16xi32>
      %add3A_733 = arith.addi %get3A_730, %add3A_732 : vector<16xi32>
      %swap3A_734 = arith.constant 9 : i32
      %swap3A_735 = arith.index_cast %swap3A_734 : i32 to index
      %swap3A_736 = arith.constant 48 : index
      %swap3A_737 = tpu.vector_load %arg5[%swap3A_735, %swap3A_736] {strides = array<i32>} : memref<15x128xi32, #tpu.memory_space<vmem>>, vector<1x16xi32>,
      %swap3A_738 = vector.shape_cast %swap3A_737 : vector<1x16xi32> to vector<16xi32>
      %swap3A_739 = vector.shape_cast %add3A_733 : vector<16xi32> to vector<1x16xi32>
      tpu.vector_store %arg5[%swap3A_735, %swap3A_736], %swap3A_739 {strides = array<i32>} : memref<15x128xi32, #tpu.memory_space<vmem>>, vector<1x16xi32>,
      %get3A_740 = arith.constant 9 : i32
      %get3A_741 = arith.index_cast %get3A_740 : i32 to index
      %get3A_742 = arith.constant 64 : index
      %get3A_743 = tpu.vector_load %arg5[%get3A_741, %get3A_742] {strides = array<i32>} : memref<15x128xi32, #tpu.memory_space<vmem>>, vector<1x16xi32>,
      %get3A_744 = vector.shape_cast %get3A_743 : vector<1x16xi32> to vector<16xi32>
      %add3A_745 = arith.constant 3075 : i32
      %add3A_746 = vector.broadcast %add3A_745 : i32 to vector<16xi32>
      %add3A_747 = arith.addi %get3A_744, %add3A_746 : vector<16xi32>
      %swap3A_748 = arith.constant 9 : i32
      %swap3A_749 = arith.index_cast %swap3A_748 : i32 to index
      %swap3A_750 = arith.constant 64 : index
      %swap3A_751 = tpu.vector_load %arg5[%swap3A_749, %swap3A_750] {strides = array<i32>} : memref<15x128xi32, #tpu.memory_space<vmem>>, vector<1x16xi32>,
      %swap3A_752 = vector.shape_cast %swap3A_751 : vector<1x16xi32> to vector<16xi32>
      %swap3A_753 = vector.shape_cast %add3A_747 : vector<16xi32> to vector<1x16xi32>
      tpu.vector_store %arg5[%swap3A_749, %swap3A_750], %swap3A_753 {strides = array<i32>} : memref<15x128xi32, #tpu.memory_space<vmem>>, vector<1x16xi32>,
      %get3A_754 = arith.constant 9 : i32
      %get3A_755 = arith.index_cast %get3A_754 : i32 to index
      %get3A_756 = arith.constant 80 : index
      %get3A_757 = tpu.vector_load %arg5[%get3A_755, %get3A_756] {strides = array<i32>} : memref<15x128xi32, #tpu.memory_space<vmem>>, vector<1x16xi32>,
      %get3A_758 = vector.shape_cast %get3A_757 : vector<1x16xi32> to vector<16xi32>
      %add3A_759 = arith.constant 3075 : i32
      %add3A_760 = vector.broadcast %add3A_759 : i32 to vector<16xi32>
      %add3A_761 = arith.addi %get3A_758, %add3A_760 : vector<16xi32>
      %swap3A_762 = arith.constant 9 : i32
      %swap3A_763 = arith.index_cast %swap3A_762 : i32 to index
      %swap3A_764 = arith.constant 80 : index
      %swap3A_765 = tpu.vector_load %arg5[%swap3A_763, %swap3A_764] {strides = array<i32>} : memref<15x128xi32, #tpu.memory_space<vmem>>, vector<1x16xi32>,
      %swap3A_766 = vector.shape_cast %swap3A_765 : vector<1x16xi32> to vector<16xi32>
      %swap3A_767 = vector.shape_cast %add3A_761 : vector<16xi32> to vector<1x16xi32>
      tpu.vector_store %arg5[%swap3A_763, %swap3A_764], %swap3A_767 {strides = array<i32>} : memref<15x128xi32, #tpu.memory_space<vmem>>, vector<1x16xi32>,
      %get3A_768 = arith.constant 9 : i32
      %get3A_769 = arith.index_cast %get3A_768 : i32 to index
      %get3A_770 = arith.constant 96 : index
      %get3A_771 = tpu.vector_load %arg5[%get3A_769, %get3A_770] {strides = array<i32>} : memref<15x128xi32, #tpu.memory_space<vmem>>, vector<1x16xi32>,
      %get3A_772 = vector.shape_cast %get3A_771 : vector<1x16xi32> to vector<16xi32>
      %add3A_773 = arith.constant 3075 : i32
      %add3A_774 = vector.broadcast %add3A_773 : i32 to vector<16xi32>
      %add3A_775 = arith.addi %get3A_772, %add3A_774 : vector<16xi32>
      %swap3A_776 = arith.constant 9 : i32
      %swap3A_777 = arith.index_cast %swap3A_776 : i32 to index
      %swap3A_778 = arith.constant 96 : index
      %swap3A_779 = tpu.vector_load %arg5[%swap3A_777, %swap3A_778] {strides = array<i32>} : memref<15x128xi32, #tpu.memory_space<vmem>>, vector<1x16xi32>,
      %swap3A_780 = vector.shape_cast %swap3A_779 : vector<1x16xi32> to vector<16xi32>
      %swap3A_781 = vector.shape_cast %add3A_775 : vector<16xi32> to vector<1x16xi32>
      tpu.vector_store %arg5[%swap3A_777, %swap3A_778], %swap3A_781 {strides = array<i32>} : memref<15x128xi32, #tpu.memory_space<vmem>>, vector<1x16xi32>,
      %get3A_782 = arith.constant 9 : i32
      %get3A_783 = arith.index_cast %get3A_782 : i32 to index
      %get3A_784 = arith.constant 112 : index
      %get3A_785 = tpu.vector_load %arg5[%get3A_783, %get3A_784] {strides = array<i32>} : memref<15x128xi32, #tpu.memory_space<vmem>>, vector<1x16xi32>,
      %get3A_786 = vector.shape_cast %get3A_785 : vector<1x16xi32> to vector<16xi32>
      %add3A_787 = arith.constant 3075 : i32
      %add3A_788 = vector.broadcast %add3A_787 : i32 to vector<16xi32>
      %add3A_789 = arith.addi %get3A_786, %add3A_788 : vector<16xi32>
      %swap3A_790 = arith.constant 9 : i32
      %swap3A_791 = arith.index_cast %swap3A_790 : i32 to index
      %swap3A_792 = arith.constant 112 : index
      %swap3A_793 = tpu.vector_load %arg5[%swap3A_791, %swap3A_792] {strides = array<i32>} : memref<15x128xi32, #tpu.memory_space<vmem>>, vector<1x16xi32>,
      %swap3A_794 = vector.shape_cast %swap3A_793 : vector<1x16xi32> to vector<16xi32>
      %swap3A_795 = vector.shape_cast %add3A_789 : vector<16xi32> to vector<1x16xi32>
      tpu.vector_store %arg5[%swap3A_791, %swap3A_792], %swap3A_795 {strides = array<i32>} : memref<15x128xi32, #tpu.memory_space<vmem>>, vector<1x16xi32>,
      %get3A_796 = arith.constant 10 : i32
      %get3A_797 = arith.index_cast %get3A_796 : i32 to index
      %get3A_798 = arith.constant 0 : index
      %get3A_799 = tpu.vector_load %arg5[%get3A_797, %get3A_798] {strides = array<i32>} : memref<15x128xi32, #tpu.memory_space<vmem>>, vector<1x16xi32>,
      %get3A_800 = vector.shape_cast %get3A_799 : vector<1x16xi32> to vector<16xi32>
      %add3A_801 = arith.constant 3075 : i32
      %add3A_802 = vector.broadcast %add3A_801 : i32 to vector<16xi32>
      %add3A_803 = arith.addi %get3A_800, %add3A_802 : vector<16xi32>
      %swap3A_804 = arith.constant 10 : i32
      %swap3A_805 = arith.index_cast %swap3A_804 : i32 to index
      %swap3A_806 = arith.constant 0 : index
      %swap3A_807 = tpu.vector_load %arg5[%swap3A_805, %swap3A_806] {strides = array<i32>} : memref<15x128xi32, #tpu.memory_space<vmem>>, vector<1x16xi32>,
      %swap3A_808 = vector.shape_cast %swap3A_807 : vector<1x16xi32> to vector<16xi32>
      %swap3A_809 = vector.shape_cast %add3A_803 : vector<16xi32> to vector<1x16xi32>
      tpu.vector_store %arg5[%swap3A_805, %swap3A_806], %swap3A_809 {strides = array<i32>} : memref<15x128xi32, #tpu.memory_space<vmem>>, vector<1x16xi32>,
      %get3A_810 = arith.constant 10 : i32
      %get3A_811 = arith.index_cast %get3A_810 : i32 to index
      %get3A_812 = arith.constant 16 : index
      %get3A_813 = tpu.vector_load %arg5[%get3A_811, %get3A_812] {strides = array<i32>} : memref<15x128xi32, #tpu.memory_space<vmem>>, vector<1x16xi32>,
      %get3A_814 = vector.shape_cast %get3A_813 : vector<1x16xi32> to vector<16xi32>
      %add3A_815 = arith.constant 3075 : i32
      %add3A_816 = vector.broadcast %add3A_815 : i32 to vector<16xi32>
      %add3A_817 = arith.addi %get3A_814, %add3A_816 : vector<16xi32>
      %swap3A_818 = arith.constant 10 : i32
      %swap3A_819 = arith.index_cast %swap3A_818 : i32 to index
      %swap3A_820 = arith.constant 16 : index
      %swap3A_821 = tpu.vector_load %arg5[%swap3A_819, %swap3A_820] {strides = array<i32>} : memref<15x128xi32, #tpu.memory_space<vmem>>, vector<1x16xi32>,
      %swap3A_822 = vector.shape_cast %swap3A_821 : vector<1x16xi32> to vector<16xi32>
      %swap3A_823 = vector.shape_cast %add3A_817 : vector<16xi32> to vector<1x16xi32>
      tpu.vector_store %arg5[%swap3A_819, %swap3A_820], %swap3A_823 {strides = array<i32>} : memref<15x128xi32, #tpu.memory_space<vmem>>, vector<1x16xi32>,
      %get3A_824 = arith.constant 10 : i32
      %get3A_825 = arith.index_cast %get3A_824 : i32 to index
      %get3A_826 = arith.constant 32 : index
      %get3A_827 = tpu.vector_load %arg5[%get3A_825, %get3A_826] {strides = array<i32>} : memref<15x128xi32, #tpu.memory_space<vmem>>, vector<1x16xi32>,
      %get3A_828 = vector.shape_cast %get3A_827 : vector<1x16xi32> to vector<16xi32>
      %add3A_829 = arith.constant 3075 : i32
      %add3A_830 = vector.broadcast %add3A_829 : i32 to vector<16xi32>
      %add3A_831 = arith.addi %get3A_828, %add3A_830 : vector<16xi32>
      %swap3A_832 = arith.constant 10 : i32
      %swap3A_833 = arith.index_cast %swap3A_832 : i32 to index
      %swap3A_834 = arith.constant 32 : index
      %swap3A_835 = tpu.vector_load %arg5[%swap3A_833, %swap3A_834] {strides = array<i32>} : memref<15x128xi32, #tpu.memory_space<vmem>>, vector<1x16xi32>,
      %swap3A_836 = vector.shape_cast %swap3A_835 : vector<1x16xi32> to vector<16xi32>
      %swap3A_837 = vector.shape_cast %add3A_831 : vector<16xi32> to vector<1x16xi32>
      tpu.vector_store %arg5[%swap3A_833, %swap3A_834], %swap3A_837 {strides = array<i32>} : memref<15x128xi32, #tpu.memory_space<vmem>>, vector<1x16xi32>,
      %get3A_838 = arith.constant 10 : i32
      %get3A_839 = arith.index_cast %get3A_838 : i32 to index
      %get3A_840 = arith.constant 48 : index
      %get3A_841 = tpu.vector_load %arg5[%get3A_839, %get3A_840] {strides = array<i32>} : memref<15x128xi32, #tpu.memory_space<vmem>>, vector<1x16xi32>,
      %get3A_842 = vector.shape_cast %get3A_841 : vector<1x16xi32> to vector<16xi32>
      %add3A_843 = arith.constant 3075 : i32
      %add3A_844 = vector.broadcast %add3A_843 : i32 to vector<16xi32>
      %add3A_845 = arith.addi %get3A_842, %add3A_844 : vector<16xi32>
      %swap3A_846 = arith.constant 10 : i32
      %swap3A_847 = arith.index_cast %swap3A_846 : i32 to index
      %swap3A_848 = arith.constant 48 : index
      %swap3A_849 = tpu.vector_load %arg5[%swap3A_847, %swap3A_848] {strides = array<i32>} : memref<15x128xi32, #tpu.memory_space<vmem>>, vector<1x16xi32>,
      %swap3A_850 = vector.shape_cast %swap3A_849 : vector<1x16xi32> to vector<16xi32>
      %swap3A_851 = vector.shape_cast %add3A_845 : vector<16xi32> to vector<1x16xi32>
      tpu.vector_store %arg5[%swap3A_847, %swap3A_848], %swap3A_851 {strides = array<i32>} : memref<15x128xi32, #tpu.memory_space<vmem>>, vector<1x16xi32>,
      %get3A_852 = arith.constant 10 : i32
      %get3A_853 = arith.index_cast %get3A_852 : i32 to index
      %get3A_854 = arith.constant 64 : index
      %get3A_855 = tpu.vector_load %arg5[%get3A_853, %get3A_854] {strides = array<i32>} : memref<15x128xi32, #tpu.memory_space<vmem>>, vector<1x16xi32>,
      %get3A_856 = vector.shape_cast %get3A_855 : vector<1x16xi32> to vector<16xi32>
      %add3A_857 = arith.constant 3075 : i32
      %add3A_858 = vector.broadcast %add3A_857 : i32 to vector<16xi32>
      %add3A_859 = arith.addi %get3A_856, %add3A_858 : vector<16xi32>
      %swap3A_860 = arith.constant 10 : i32
      %swap3A_861 = arith.index_cast %swap3A_860 : i32 to index
      %swap3A_862 = arith.constant 64 : index
      %swap3A_863 = tpu.vector_load %arg5[%swap3A_861, %swap3A_862] {strides = array<i32>} : memref<15x128xi32, #tpu.memory_space<vmem>>, vector<1x16xi32>,
      %swap3A_864 = vector.shape_cast %swap3A_863 : vector<1x16xi32> to vector<16xi32>
      %swap3A_865 = vector.shape_cast %add3A_859 : vector<16xi32> to vector<1x16xi32>
      tpu.vector_store %arg5[%swap3A_861, %swap3A_862], %swap3A_865 {strides = array<i32>} : memref<15x128xi32, #tpu.memory_space<vmem>>, vector<1x16xi32>,
      %get3A_866 = arith.constant 10 : i32
      %get3A_867 = arith.index_cast %get3A_866 : i32 to index
      %get3A_868 = arith.constant 80 : index
      %get3A_869 = tpu.vector_load %arg5[%get3A_867, %get3A_868] {strides = array<i32>} : memref<15x128xi32, #tpu.memory_space<vmem>>, vector<1x16xi32>,
      %get3A_870 = vector.shape_cast %get3A_869 : vector<1x16xi32> to vector<16xi32>
      %add3A_871 = arith.constant 3075 : i32
      %add3A_872 = vector.broadcast %add3A_871 : i32 to vector<16xi32>
      %add3A_873 = arith.addi %get3A_870, %add3A_872 : vector<16xi32>
      %swap3A_874 = arith.constant 10 : i32
      %swap3A_875 = arith.index_cast %swap3A_874 : i32 to index
      %swap3A_876 = arith.constant 80 : index
      %swap3A_877 = tpu.vector_load %arg5[%swap3A_875, %swap3A_876] {strides = array<i32>} : memref<15x128xi32, #tpu.memory_space<vmem>>, vector<1x16xi32>,
      %swap3A_878 = vector.shape_cast %swap3A_877 : vector<1x16xi32> to vector<16xi32>
      %swap3A_879 = vector.shape_cast %add3A_873 : vector<16xi32> to vector<1x16xi32>
      tpu.vector_store %arg5[%swap3A_875, %swap3A_876], %swap3A_879 {strides = array<i32>} : memref<15x128xi32, #tpu.memory_space<vmem>>, vector<1x16xi32>,
      %get3A_880 = arith.constant 10 : i32
      %get3A_881 = arith.index_cast %get3A_880 : i32 to index
      %get3A_882 = arith.constant 96 : index
      %get3A_883 = tpu.vector_load %arg5[%get3A_881, %get3A_882] {strides = array<i32>} : memref<15x128xi32, #tpu.memory_space<vmem>>, vector<1x16xi32>,
      %get3A_884 = vector.shape_cast %get3A_883 : vector<1x16xi32> to vector<16xi32>
      %add3A_885 = arith.constant 3075 : i32
      %add3A_886 = vector.broadcast %add3A_885 : i32 to vector<16xi32>
      %add3A_887 = arith.addi %get3A_884, %add3A_886 : vector<16xi32>
      %swap3A_888 = arith.constant 10 : i32
      %swap3A_889 = arith.index_cast %swap3A_888 : i32 to index
      %swap3A_890 = arith.constant 96 : index
      %swap3A_891 = tpu.vector_load %arg5[%swap3A_889, %swap3A_890] {strides = array<i32>} : memref<15x128xi32, #tpu.memory_space<vmem>>, vector<1x16xi32>,
      %swap3A_892 = vector.shape_cast %swap3A_891 : vector<1x16xi32> to vector<16xi32>
      %swap3A_893 = vector.shape_cast %add3A_887 : vector<16xi32> to vector<1x16xi32>
      tpu.vector_store %arg5[%swap3A_889, %swap3A_890], %swap3A_893 {strides = array<i32>} : memref<15x128xi32, #tpu.memory_space<vmem>>, vector<1x16xi32>,
      %get3A_894 = arith.constant 10 : i32
      %get3A_895 = arith.index_cast %get3A_894 : i32 to index
      %get3A_896 = arith.constant 112 : index
      %get3A_897 = tpu.vector_load %arg5[%get3A_895, %get3A_896] {strides = array<i32>} : memref<15x128xi32, #tpu.memory_space<vmem>>, vector<1x16xi32>,
      %get3A_898 = vector.shape_cast %get3A_897 : vector<1x16xi32> to vector<16xi32>
      %add3A_899 = arith.constant 3075 : i32
      %add3A_900 = vector.broadcast %add3A_899 : i32 to vector<16xi32>
      %add3A_901 = arith.addi %get3A_898, %add3A_900 : vector<16xi32>
      %swap3A_902 = arith.constant 10 : i32
      %swap3A_903 = arith.index_cast %swap3A_902 : i32 to index
      %swap3A_904 = arith.constant 112 : index
      %swap3A_905 = tpu.vector_load %arg5[%swap3A_903, %swap3A_904] {strides = array<i32>} : memref<15x128xi32, #tpu.memory_space<vmem>>, vector<1x16xi32>,
      %swap3A_906 = vector.shape_cast %swap3A_905 : vector<1x16xi32> to vector<16xi32>
      %swap3A_907 = vector.shape_cast %add3A_901 : vector<16xi32> to vector<1x16xi32>
      tpu.vector_store %arg5[%swap3A_903, %swap3A_904], %swap3A_907 {strides = array<i32>} : memref<15x128xi32, #tpu.memory_space<vmem>>, vector<1x16xi32>,
      %get3A_908 = arith.constant 11 : i32
      %get3A_909 = arith.index_cast %get3A_908 : i32 to index
      %get3A_910 = arith.constant 0 : index
      %get3A_911 = tpu.vector_load %arg5[%get3A_909, %get3A_910] {strides = array<i32>} : memref<15x128xi32, #tpu.memory_space<vmem>>, vector<1x16xi32>,
      %get3A_912 = vector.shape_cast %get3A_911 : vector<1x16xi32> to vector<16xi32>
      %add3A_913 = arith.constant 3075 : i32
      %add3A_914 = vector.broadcast %add3A_913 : i32 to vector<16xi32>
      %add3A_915 = arith.addi %get3A_912, %add3A_914 : vector<16xi32>
      %swap3A_916 = arith.constant 11 : i32
      %swap3A_917 = arith.index_cast %swap3A_916 : i32 to index
      %swap3A_918 = arith.constant 0 : index
      %swap3A_919 = tpu.vector_load %arg5[%swap3A_917, %swap3A_918] {strides = array<i32>} : memref<15x128xi32, #tpu.memory_space<vmem>>, vector<1x16xi32>,
      %swap3A_920 = vector.shape_cast %swap3A_919 : vector<1x16xi32> to vector<16xi32>
      %swap3A_921 = vector.shape_cast %add3A_915 : vector<16xi32> to vector<1x16xi32>
      tpu.vector_store %arg5[%swap3A_917, %swap3A_918], %swap3A_921 {strides = array<i32>} : memref<15x128xi32, #tpu.memory_space<vmem>>, vector<1x16xi32>,
      %get3A_922 = arith.constant 11 : i32
      %get3A_923 = arith.index_cast %get3A_922 : i32 to index
      %get3A_924 = arith.constant 16 : index
      %get3A_925 = tpu.vector_load %arg5[%get3A_923, %get3A_924] {strides = array<i32>} : memref<15x128xi32, #tpu.memory_space<vmem>>, vector<1x16xi32>,
      %get3A_926 = vector.shape_cast %get3A_925 : vector<1x16xi32> to vector<16xi32>
      %add3A_927 = arith.constant 3075 : i32
      %add3A_928 = vector.broadcast %add3A_927 : i32 to vector<16xi32>
      %add3A_929 = arith.addi %get3A_926, %add3A_928 : vector<16xi32>
      %swap3A_930 = arith.constant 11 : i32
      %swap3A_931 = arith.index_cast %swap3A_930 : i32 to index
      %swap3A_932 = arith.constant 16 : index
      %swap3A_933 = tpu.vector_load %arg5[%swap3A_931, %swap3A_932] {strides = array<i32>} : memref<15x128xi32, #tpu.memory_space<vmem>>, vector<1x16xi32>,
      %swap3A_934 = vector.shape_cast %swap3A_933 : vector<1x16xi32> to vector<16xi32>
      %swap3A_935 = vector.shape_cast %add3A_929 : vector<16xi32> to vector<1x16xi32>
      tpu.vector_store %arg5[%swap3A_931, %swap3A_932], %swap3A_935 {strides = array<i32>} : memref<15x128xi32, #tpu.memory_space<vmem>>, vector<1x16xi32>,
      %get3A_936 = arith.constant 11 : i32
      %get3A_937 = arith.index_cast %get3A_936 : i32 to index
      %get3A_938 = arith.constant 32 : index
      %get3A_939 = tpu.vector_load %arg5[%get3A_937, %get3A_938] {strides = array<i32>} : memref<15x128xi32, #tpu.memory_space<vmem>>, vector<1x16xi32>,
      %get3A_940 = vector.shape_cast %get3A_939 : vector<1x16xi32> to vector<16xi32>
      %add3A_941 = arith.constant 3075 : i32
      %add3A_942 = vector.broadcast %add3A_941 : i32 to vector<16xi32>
      %add3A_943 = arith.addi %get3A_940, %add3A_942 : vector<16xi32>
      %swap3A_944 = arith.constant 11 : i32
      %swap3A_945 = arith.index_cast %swap3A_944 : i32 to index
      %swap3A_946 = arith.constant 32 : index
      %swap3A_947 = tpu.vector_load %arg5[%swap3A_945, %swap3A_946] {strides = array<i32>} : memref<15x128xi32, #tpu.memory_space<vmem>>, vector<1x16xi32>,
      %swap3A_948 = vector.shape_cast %swap3A_947 : vector<1x16xi32> to vector<16xi32>
      %swap3A_949 = vector.shape_cast %add3A_943 : vector<16xi32> to vector<1x16xi32>
      tpu.vector_store %arg5[%swap3A_945, %swap3A_946], %swap3A_949 {strides = array<i32>} : memref<15x128xi32, #tpu.memory_space<vmem>>, vector<1x16xi32>,
      %get3A_950 = arith.constant 11 : i32
      %get3A_951 = arith.index_cast %get3A_950 : i32 to index
      %get3A_952 = arith.constant 48 : index
      %get3A_953 = tpu.vector_load %arg5[%get3A_951, %get3A_952] {strides = array<i32>} : memref<15x128xi32, #tpu.memory_space<vmem>>, vector<1x16xi32>,
      %get3A_954 = vector.shape_cast %get3A_953 : vector<1x16xi32> to vector<16xi32>
      %add3A_955 = arith.constant 3075 : i32
      %add3A_956 = vector.broadcast %add3A_955 : i32 to vector<16xi32>
      %add3A_957 = arith.addi %get3A_954, %add3A_956 : vector<16xi32>
      %swap3A_958 = arith.constant 11 : i32
      %swap3A_959 = arith.index_cast %swap3A_958 : i32 to index
      %swap3A_960 = arith.constant 48 : index
      %swap3A_961 = tpu.vector_load %arg5[%swap3A_959, %swap3A_960] {strides = array<i32>} : memref<15x128xi32, #tpu.memory_space<vmem>>, vector<1x16xi32>,
      %swap3A_962 = vector.shape_cast %swap3A_961 : vector<1x16xi32> to vector<16xi32>
      %swap3A_963 = vector.shape_cast %add3A_957 : vector<16xi32> to vector<1x16xi32>
      tpu.vector_store %arg5[%swap3A_959, %swap3A_960], %swap3A_963 {strides = array<i32>} : memref<15x128xi32, #tpu.memory_space<vmem>>, vector<1x16xi32>,
      %get3A_964 = arith.constant 11 : i32
      %get3A_965 = arith.index_cast %get3A_964 : i32 to index
      %get3A_966 = arith.constant 64 : index
      %get3A_967 = tpu.vector_load %arg5[%get3A_965, %get3A_966] {strides = array<i32>} : memref<15x128xi32, #tpu.memory_space<vmem>>, vector<1x16xi32>,
      %get3A_968 = vector.shape_cast %get3A_967 : vector<1x16xi32> to vector<16xi32>
      %add3A_969 = arith.constant 3075 : i32
      %add3A_970 = vector.broadcast %add3A_969 : i32 to vector<16xi32>
      %add3A_971 = arith.addi %get3A_968, %add3A_970 : vector<16xi32>
      %swap3A_972 = arith.constant 11 : i32
      %swap3A_973 = arith.index_cast %swap3A_972 : i32 to index
      %swap3A_974 = arith.constant 64 : index
      %swap3A_975 = tpu.vector_load %arg5[%swap3A_973, %swap3A_974] {strides = array<i32>} : memref<15x128xi32, #tpu.memory_space<vmem>>, vector<1x16xi32>,
      %swap3A_976 = vector.shape_cast %swap3A_975 : vector<1x16xi32> to vector<16xi32>
      %swap3A_977 = vector.shape_cast %add3A_971 : vector<16xi32> to vector<1x16xi32>
      tpu.vector_store %arg5[%swap3A_973, %swap3A_974], %swap3A_977 {strides = array<i32>} : memref<15x128xi32, #tpu.memory_space<vmem>>, vector<1x16xi32>,
      %get3A_978 = arith.constant 11 : i32
      %get3A_979 = arith.index_cast %get3A_978 : i32 to index
      %get3A_980 = arith.constant 80 : index
      %get3A_981 = tpu.vector_load %arg5[%get3A_979, %get3A_980] {strides = array<i32>} : memref<15x128xi32, #tpu.memory_space<vmem>>, vector<1x16xi32>,
      %get3A_982 = vector.shape_cast %get3A_981 : vector<1x16xi32> to vector<16xi32>
      %add3A_983 = arith.constant 3075 : i32
      %add3A_984 = vector.broadcast %add3A_983 : i32 to vector<16xi32>
      %add3A_985 = arith.addi %get3A_982, %add3A_984 : vector<16xi32>
      %swap3A_986 = arith.constant 11 : i32
      %swap3A_987 = arith.index_cast %swap3A_986 : i32 to index
      %swap3A_988 = arith.constant 80 : index
      %swap3A_989 = tpu.vector_load %arg5[%swap3A_987, %swap3A_988] {strides = array<i32>} : memref<15x128xi32, #tpu.memory_space<vmem>>, vector<1x16xi32>,
      %swap3A_990 = vector.shape_cast %swap3A_989 : vector<1x16xi32> to vector<16xi32>
      %swap3A_991 = vector.shape_cast %add3A_985 : vector<16xi32> to vector<1x16xi32>
      tpu.vector_store %arg5[%swap3A_987, %swap3A_988], %swap3A_991 {strides = array<i32>} : memref<15x128xi32, #tpu.memory_space<vmem>>, vector<1x16xi32>,
      %get3A_992 = arith.constant 11 : i32
      %get3A_993 = arith.index_cast %get3A_992 : i32 to index
      %get3A_994 = arith.constant 96 : index
      %get3A_995 = tpu.vector_load %arg5[%get3A_993, %get3A_994] {strides = array<i32>} : memref<15x128xi32, #tpu.memory_space<vmem>>, vector<1x16xi32>,
      %get3A_996 = vector.shape_cast %get3A_995 : vector<1x16xi32> to vector<16xi32>
      %add3A_997 = arith.constant 3075 : i32
      %add3A_998 = vector.broadcast %add3A_997 : i32 to vector<16xi32>
      %add3A_999 = arith.addi %get3A_996, %add3A_998 : vector<16xi32>
      %swap3A_1000 = arith.constant 11 : i32
      %swap3A_1001 = arith.index_cast %swap3A_1000 : i32 to index
      %swap3A_1002 = arith.constant 96 : index
      %swap3A_1003 = tpu.vector_load %arg5[%swap3A_1001, %swap3A_1002] {strides = array<i32>} : memref<15x128xi32, #tpu.memory_space<vmem>>, vector<1x16xi32>,
      %swap3A_1004 = vector.shape_cast %swap3A_1003 : vector<1x16xi32> to vector<16xi32>
      %swap3A_1005 = vector.shape_cast %add3A_999 : vector<16xi32> to vector<1x16xi32>
      tpu.vector_store %arg5[%swap3A_1001, %swap3A_1002], %swap3A_1005 {strides = array<i32>} : memref<15x128xi32, #tpu.memory_space<vmem>>, vector<1x16xi32>,
      %get3A_1006 = arith.constant 11 : i32
      %get3A_1007 = arith.index_cast %get3A_1006 : i32 to index
      %get3A_1008 = arith.constant 112 : index
      %get3A_1009 = tpu.vector_load %arg5[%get3A_1007, %get3A_1008] {strides = array<i32>} : memref<15x128xi32, #tpu.memory_space<vmem>>, vector<1x16xi32>,
      %get3A_1010 = vector.shape_cast %get3A_1009 : vector<1x16xi32> to vector<16xi32>
      %add3A_1011 = arith.constant 3075 : i32
      %add3A_1012 = vector.broadcast %add3A_1011 : i32 to vector<16xi32>
      %add3A_1013 = arith.addi %get3A_1010, %add3A_1012 : vector<16xi32>
      %swap3A_1014 = arith.constant 11 : i32
      %swap3A_1015 = arith.index_cast %swap3A_1014 : i32 to index
      %swap3A_1016 = arith.constant 112 : index
      %swap3A_1017 = tpu.vector_load %arg5[%swap3A_1015, %swap3A_1016] {strides = array<i32>} : memref<15x128xi32, #tpu.memory_space<vmem>>, vector<1x16xi32>,
      %swap3A_1018 = vector.shape_cast %swap3A_1017 : vector<1x16xi32> to vector<16xi32>
      %swap3A_1019 = vector.shape_cast %add3A_1013 : vector<16xi32> to vector<1x16xi32>
      tpu.vector_store %arg5[%swap3A_1015, %swap3A_1016], %swap3A_1019 {strides = array<i32>} : memref<15x128xi32, #tpu.memory_space<vmem>>, vector<1x16xi32>,
      %get3A_1020 = arith.constant 12 : i32
      %get3A_1021 = arith.index_cast %get3A_1020 : i32 to index
      %get3A_1022 = arith.constant 0 : index
      %get3A_1023 = tpu.vector_load %arg5[%get3A_1021, %get3A_1022] {strides = array<i32>} : memref<15x128xi32, #tpu.memory_space<vmem>>, vector<1x16xi32>,
      %get3A_1024 = vector.shape_cast %get3A_1023 : vector<1x16xi32> to vector<16xi32>
      %add3A_1025 = arith.constant 4100 : i32
      %add3A_1026 = vector.broadcast %add3A_1025 : i32 to vector<16xi32>
      %add3A_1027 = arith.addi %get3A_1024, %add3A_1026 : vector<16xi32>
      %swap3A_1028 = arith.constant 12 : i32
      %swap3A_1029 = arith.index_cast %swap3A_1028 : i32 to index
      %swap3A_1030 = arith.constant 0 : index
      %swap3A_1031 = tpu.vector_load %arg5[%swap3A_1029, %swap3A_1030] {strides = array<i32>} : memref<15x128xi32, #tpu.memory_space<vmem>>, vector<1x16xi32>,
      %swap3A_1032 = vector.shape_cast %swap3A_1031 : vector<1x16xi32> to vector<16xi32>
      %swap3A_1033 = vector.shape_cast %add3A_1027 : vector<16xi32> to vector<1x16xi32>
      tpu.vector_store %arg5[%swap3A_1029, %swap3A_1030], %swap3A_1033 {strides = array<i32>} : memref<15x128xi32, #tpu.memory_space<vmem>>, vector<1x16xi32>,
      %get3A_1034 = arith.constant 12 : i32
      %get3A_1035 = arith.index_cast %get3A_1034 : i32 to index
      %get3A_1036 = arith.constant 16 : index
      %get3A_1037 = tpu.vector_load %arg5[%get3A_1035, %get3A_1036] {strides = array<i32>} : memref<15x128xi32, #tpu.memory_space<vmem>>, vector<1x16xi32>,
      %get3A_1038 = vector.shape_cast %get3A_1037 : vector<1x16xi32> to vector<16xi32>
      %add3A_1039 = arith.constant 4100 : i32
      %add3A_1040 = vector.broadcast %add3A_1039 : i32 to vector<16xi32>
      %add3A_1041 = arith.addi %get3A_1038, %add3A_1040 : vector<16xi32>
      %swap3A_1042 = arith.constant 12 : i32
      %swap3A_1043 = arith.index_cast %swap3A_1042 : i32 to index
      %swap3A_1044 = arith.constant 16 : index
      %swap3A_1045 = tpu.vector_load %arg5[%swap3A_1043, %swap3A_1044] {strides = array<i32>} : memref<15x128xi32, #tpu.memory_space<vmem>>, vector<1x16xi32>,
      %swap3A_1046 = vector.shape_cast %swap3A_1045 : vector<1x16xi32> to vector<16xi32>
      %swap3A_1047 = vector.shape_cast %add3A_1041 : vector<16xi32> to vector<1x16xi32>
      tpu.vector_store %arg5[%swap3A_1043, %swap3A_1044], %swap3A_1047 {strides = array<i32>} : memref<15x128xi32, #tpu.memory_space<vmem>>, vector<1x16xi32>,
      %get3A_1048 = arith.constant 12 : i32
      %get3A_1049 = arith.index_cast %get3A_1048 : i32 to index
      %get3A_1050 = arith.constant 32 : index
      %get3A_1051 = tpu.vector_load %arg5[%get3A_1049, %get3A_1050] {strides = array<i32>} : memref<15x128xi32, #tpu.memory_space<vmem>>, vector<1x16xi32>,
      %get3A_1052 = vector.shape_cast %get3A_1051 : vector<1x16xi32> to vector<16xi32>
      %add3A_1053 = arith.constant 4100 : i32
      %add3A_1054 = vector.broadcast %add3A_1053 : i32 to vector<16xi32>
      %add3A_1055 = arith.addi %get3A_1052, %add3A_1054 : vector<16xi32>
      %swap3A_1056 = arith.constant 12 : i32
      %swap3A_1057 = arith.index_cast %swap3A_1056 : i32 to index
      %swap3A_1058 = arith.constant 32 : index
      %swap3A_1059 = tpu.vector_load %arg5[%swap3A_1057, %swap3A_1058] {strides = array<i32>} : memref<15x128xi32, #tpu.memory_space<vmem>>, vector<1x16xi32>,
      %swap3A_1060 = vector.shape_cast %swap3A_1059 : vector<1x16xi32> to vector<16xi32>
      %swap3A_1061 = vector.shape_cast %add3A_1055 : vector<16xi32> to vector<1x16xi32>
      tpu.vector_store %arg5[%swap3A_1057, %swap3A_1058], %swap3A_1061 {strides = array<i32>} : memref<15x128xi32, #tpu.memory_space<vmem>>, vector<1x16xi32>,
      %get3A_1062 = arith.constant 12 : i32
      %get3A_1063 = arith.index_cast %get3A_1062 : i32 to index
      %get3A_1064 = arith.constant 48 : index
      %get3A_1065 = tpu.vector_load %arg5[%get3A_1063, %get3A_1064] {strides = array<i32>} : memref<15x128xi32, #tpu.memory_space<vmem>>, vector<1x16xi32>,
      %get3A_1066 = vector.shape_cast %get3A_1065 : vector<1x16xi32> to vector<16xi32>
      %add3A_1067 = arith.constant 4100 : i32
      %add3A_1068 = vector.broadcast %add3A_1067 : i32 to vector<16xi32>
      %add3A_1069 = arith.addi %get3A_1066, %add3A_1068 : vector<16xi32>
      %swap3A_1070 = arith.constant 12 : i32
      %swap3A_1071 = arith.index_cast %swap3A_1070 : i32 to index
      %swap3A_1072 = arith.constant 48 : index
      %swap3A_1073 = tpu.vector_load %arg5[%swap3A_1071, %swap3A_1072] {strides = array<i32>} : memref<15x128xi32, #tpu.memory_space<vmem>>, vector<1x16xi32>,
      %swap3A_1074 = vector.shape_cast %swap3A_1073 : vector<1x16xi32> to vector<16xi32>
      %swap3A_1075 = vector.shape_cast %add3A_1069 : vector<16xi32> to vector<1x16xi32>
      tpu.vector_store %arg5[%swap3A_1071, %swap3A_1072], %swap3A_1075 {strides = array<i32>} : memref<15x128xi32, #tpu.memory_space<vmem>>, vector<1x16xi32>,
      %get3A_1076 = arith.constant 12 : i32
      %get3A_1077 = arith.index_cast %get3A_1076 : i32 to index
      %get3A_1078 = arith.constant 64 : index
      %get3A_1079 = tpu.vector_load %arg5[%get3A_1077, %get3A_1078] {strides = array<i32>} : memref<15x128xi32, #tpu.memory_space<vmem>>, vector<1x16xi32>,
      %get3A_1080 = vector.shape_cast %get3A_1079 : vector<1x16xi32> to vector<16xi32>
      %add3A_1081 = arith.constant 4100 : i32
      %add3A_1082 = vector.broadcast %add3A_1081 : i32 to vector<16xi32>
      %add3A_1083 = arith.addi %get3A_1080, %add3A_1082 : vector<16xi32>
      %swap3A_1084 = arith.constant 12 : i32
      %swap3A_1085 = arith.index_cast %swap3A_1084 : i32 to index
      %swap3A_1086 = arith.constant 64 : index
      %swap3A_1087 = tpu.vector_load %arg5[%swap3A_1085, %swap3A_1086] {strides = array<i32>} : memref<15x128xi32, #tpu.memory_space<vmem>>, vector<1x16xi32>,
      %swap3A_1088 = vector.shape_cast %swap3A_1087 : vector<1x16xi32> to vector<16xi32>
      %swap3A_1089 = vector.shape_cast %add3A_1083 : vector<16xi32> to vector<1x16xi32>
      tpu.vector_store %arg5[%swap3A_1085, %swap3A_1086], %swap3A_1089 {strides = array<i32>} : memref<15x128xi32, #tpu.memory_space<vmem>>, vector<1x16xi32>,
      %get3A_1090 = arith.constant 12 : i32
      %get3A_1091 = arith.index_cast %get3A_1090 : i32 to index
      %get3A_1092 = arith.constant 80 : index
      %get3A_1093 = tpu.vector_load %arg5[%get3A_1091, %get3A_1092] {strides = array<i32>} : memref<15x128xi32, #tpu.memory_space<vmem>>, vector<1x16xi32>,
      %get3A_1094 = vector.shape_cast %get3A_1093 : vector<1x16xi32> to vector<16xi32>
      %add3A_1095 = arith.constant 4100 : i32
      %add3A_1096 = vector.broadcast %add3A_1095 : i32 to vector<16xi32>
      %add3A_1097 = arith.addi %get3A_1094, %add3A_1096 : vector<16xi32>
      %swap3A_1098 = arith.constant 12 : i32
      %swap3A_1099 = arith.index_cast %swap3A_1098 : i32 to index
      %swap3A_1100 = arith.constant 80 : index
      %swap3A_1101 = tpu.vector_load %arg5[%swap3A_1099, %swap3A_1100] {strides = array<i32>} : memref<15x128xi32, #tpu.memory_space<vmem>>, vector<1x16xi32>,
      %swap3A_1102 = vector.shape_cast %swap3A_1101 : vector<1x16xi32> to vector<16xi32>
      %swap3A_1103 = vector.shape_cast %add3A_1097 : vector<16xi32> to vector<1x16xi32>
      tpu.vector_store %arg5[%swap3A_1099, %swap3A_1100], %swap3A_1103 {strides = array<i32>} : memref<15x128xi32, #tpu.memory_space<vmem>>, vector<1x16xi32>,
      %get3A_1104 = arith.constant 12 : i32
      %get3A_1105 = arith.index_cast %get3A_1104 : i32 to index
      %get3A_1106 = arith.constant 96 : index
      %get3A_1107 = tpu.vector_load %arg5[%get3A_1105, %get3A_1106] {strides = array<i32>} : memref<15x128xi32, #tpu.memory_space<vmem>>, vector<1x16xi32>,
      %get3A_1108 = vector.shape_cast %get3A_1107 : vector<1x16xi32> to vector<16xi32>
      %add3A_1109 = arith.constant 4100 : i32
      %add3A_1110 = vector.broadcast %add3A_1109 : i32 to vector<16xi32>
      %add3A_1111 = arith.addi %get3A_1108, %add3A_1110 : vector<16xi32>
      %swap3A_1112 = arith.constant 12 : i32
      %swap3A_1113 = arith.index_cast %swap3A_1112 : i32 to index
      %swap3A_1114 = arith.constant 96 : index
      %swap3A_1115 = tpu.vector_load %arg5[%swap3A_1113, %swap3A_1114] {strides = array<i32>} : memref<15x128xi32, #tpu.memory_space<vmem>>, vector<1x16xi32>,
      %swap3A_1116 = vector.shape_cast %swap3A_1115 : vector<1x16xi32> to vector<16xi32>
      %swap3A_1117 = vector.shape_cast %add3A_1111 : vector<16xi32> to vector<1x16xi32>
      tpu.vector_store %arg5[%swap3A_1113, %swap3A_1114], %swap3A_1117 {strides = array<i32>} : memref<15x128xi32, #tpu.memory_space<vmem>>, vector<1x16xi32>,
      %get3A_1118 = arith.constant 12 : i32
      %get3A_1119 = arith.index_cast %get3A_1118 : i32 to index
      %get3A_1120 = arith.constant 112 : index
      %get3A_1121 = tpu.vector_load %arg5[%get3A_1119, %get3A_1120] {strides = array<i32>} : memref<15x128xi32, #tpu.memory_space<vmem>>, vector<1x16xi32>,
      %get3A_1122 = vector.shape_cast %get3A_1121 : vector<1x16xi32> to vector<16xi32>
      %add3A_1123 = arith.constant 4100 : i32
      %add3A_1124 = vector.broadcast %add3A_1123 : i32 to vector<16xi32>
      %add3A_1125 = arith.addi %get3A_1122, %add3A_1124 : vector<16xi32>
      %swap3A_1126 = arith.constant 12 : i32
      %swap3A_1127 = arith.index_cast %swap3A_1126 : i32 to index
      %swap3A_1128 = arith.constant 112 : index
      %swap3A_1129 = tpu.vector_load %arg5[%swap3A_1127, %swap3A_1128] {strides = array<i32>} : memref<15x128xi32, #tpu.memory_space<vmem>>, vector<1x16xi32>,
      %swap3A_1130 = vector.shape_cast %swap3A_1129 : vector<1x16xi32> to vector<16xi32>
      %swap3A_1131 = vector.shape_cast %add3A_1125 : vector<16xi32> to vector<1x16xi32>
      tpu.vector_store %arg5[%swap3A_1127, %swap3A_1128], %swap3A_1131 {strides = array<i32>} : memref<15x128xi32, #tpu.memory_space<vmem>>, vector<1x16xi32>,
      %get3A_1132 = arith.constant 13 : i32
      %get3A_1133 = arith.index_cast %get3A_1132 : i32 to index
      %get3A_1134 = arith.constant 0 : index
      %get3A_1135 = tpu.vector_load %arg5[%get3A_1133, %get3A_1134] {strides = array<i32>} : memref<15x128xi32, #tpu.memory_space<vmem>>, vector<1x16xi32>,
      %get3A_1136 = vector.shape_cast %get3A_1135 : vector<1x16xi32> to vector<16xi32>
      %add3A_1137 = arith.constant 4100 : i32
      %add3A_1138 = vector.broadcast %add3A_1137 : i32 to vector<16xi32>
      %add3A_1139 = arith.addi %get3A_1136, %add3A_1138 : vector<16xi32>
      %swap3A_1140 = arith.constant 13 : i32
      %swap3A_1141 = arith.index_cast %swap3A_1140 : i32 to index
      %swap3A_1142 = arith.constant 0 : index
      %swap3A_1143 = tpu.vector_load %arg5[%swap3A_1141, %swap3A_1142] {strides = array<i32>} : memref<15x128xi32, #tpu.memory_space<vmem>>, vector<1x16xi32>,
      %swap3A_1144 = vector.shape_cast %swap3A_1143 : vector<1x16xi32> to vector<16xi32>
      %swap3A_1145 = vector.shape_cast %add3A_1139 : vector<16xi32> to vector<1x16xi32>
      tpu.vector_store %arg5[%swap3A_1141, %swap3A_1142], %swap3A_1145 {strides = array<i32>} : memref<15x128xi32, #tpu.memory_space<vmem>>, vector<1x16xi32>,
      %get3A_1146 = arith.constant 13 : i32
      %get3A_1147 = arith.index_cast %get3A_1146 : i32 to index
      %get3A_1148 = arith.constant 16 : index
      %get3A_1149 = tpu.vector_load %arg5[%get3A_1147, %get3A_1148] {strides = array<i32>} : memref<15x128xi32, #tpu.memory_space<vmem>>, vector<1x16xi32>,
      %get3A_1150 = vector.shape_cast %get3A_1149 : vector<1x16xi32> to vector<16xi32>
      %add3A_1151 = arith.constant 4100 : i32
      %add3A_1152 = vector.broadcast %add3A_1151 : i32 to vector<16xi32>
      %add3A_1153 = arith.addi %get3A_1150, %add3A_1152 : vector<16xi32>
      %swap3A_1154 = arith.constant 13 : i32
      %swap3A_1155 = arith.index_cast %swap3A_1154 : i32 to index
      %swap3A_1156 = arith.constant 16 : index
      %swap3A_1157 = tpu.vector_load %arg5[%swap3A_1155, %swap3A_1156] {strides = array<i32>} : memref<15x128xi32, #tpu.memory_space<vmem>>, vector<1x16xi32>,
      %swap3A_1158 = vector.shape_cast %swap3A_1157 : vector<1x16xi32> to vector<16xi32>
      %swap3A_1159 = vector.shape_cast %add3A_1153 : vector<16xi32> to vector<1x16xi32>
      tpu.vector_store %arg5[%swap3A_1155, %swap3A_1156], %swap3A_1159 {strides = array<i32>} : memref<15x128xi32, #tpu.memory_space<vmem>>, vector<1x16xi32>,
      %get3A_1160 = arith.constant 13 : i32
      %get3A_1161 = arith.index_cast %get3A_1160 : i32 to index
      %get3A_1162 = arith.constant 32 : index
      %get3A_1163 = tpu.vector_load %arg5[%get3A_1161, %get3A_1162] {strides = array<i32>} : memref<15x128xi32, #tpu.memory_space<vmem>>, vector<1x16xi32>,
      %get3A_1164 = vector.shape_cast %get3A_1163 : vector<1x16xi32> to vector<16xi32>
      %add3A_1165 = arith.constant 4100 : i32
      %add3A_1166 = vector.broadcast %add3A_1165 : i32 to vector<16xi32>
      %add3A_1167 = arith.addi %get3A_1164, %add3A_1166 : vector<16xi32>
      %swap3A_1168 = arith.constant 13 : i32
      %swap3A_1169 = arith.index_cast %swap3A_1168 : i32 to index
      %swap3A_1170 = arith.constant 32 : index
      %swap3A_1171 = tpu.vector_load %arg5[%swap3A_1169, %swap3A_1170] {strides = array<i32>} : memref<15x128xi32, #tpu.memory_space<vmem>>, vector<1x16xi32>,
      %swap3A_1172 = vector.shape_cast %swap3A_1171 : vector<1x16xi32> to vector<16xi32>
      %swap3A_1173 = vector.shape_cast %add3A_1167 : vector<16xi32> to vector<1x16xi32>
      tpu.vector_store %arg5[%swap3A_1169, %swap3A_1170], %swap3A_1173 {strides = array<i32>} : memref<15x128xi32, #tpu.memory_space<vmem>>, vector<1x16xi32>,
      %get3A_1174 = arith.constant 13 : i32
      %get3A_1175 = arith.index_cast %get3A_1174 : i32 to index
      %get3A_1176 = arith.constant 48 : index
      %get3A_1177 = tpu.vector_load %arg5[%get3A_1175, %get3A_1176] {strides = array<i32>} : memref<15x128xi32, #tpu.memory_space<vmem>>, vector<1x16xi32>,
      %get3A_1178 = vector.shape_cast %get3A_1177 : vector<1x16xi32> to vector<16xi32>
      %add3A_1179 = arith.constant 4100 : i32
      %add3A_1180 = vector.broadcast %add3A_1179 : i32 to vector<16xi32>
      %add3A_1181 = arith.addi %get3A_1178, %add3A_1180 : vector<16xi32>
      %swap3A_1182 = arith.constant 13 : i32
      %swap3A_1183 = arith.index_cast %swap3A_1182 : i32 to index
      %swap3A_1184 = arith.constant 48 : index
      %swap3A_1185 = tpu.vector_load %arg5[%swap3A_1183, %swap3A_1184] {strides = array<i32>} : memref<15x128xi32, #tpu.memory_space<vmem>>, vector<1x16xi32>,
      %swap3A_1186 = vector.shape_cast %swap3A_1185 : vector<1x16xi32> to vector<16xi32>
      %swap3A_1187 = vector.shape_cast %add3A_1181 : vector<16xi32> to vector<1x16xi32>
      tpu.vector_store %arg5[%swap3A_1183, %swap3A_1184], %swap3A_1187 {strides = array<i32>} : memref<15x128xi32, #tpu.memory_space<vmem>>, vector<1x16xi32>,
      %get3A_1188 = arith.constant 13 : i32
      %get3A_1189 = arith.index_cast %get3A_1188 : i32 to index
      %get3A_1190 = arith.constant 64 : index
      %get3A_1191 = tpu.vector_load %arg5[%get3A_1189, %get3A_1190] {strides = array<i32>} : memref<15x128xi32, #tpu.memory_space<vmem>>, vector<1x16xi32>,
      %get3A_1192 = vector.shape_cast %get3A_1191 : vector<1x16xi32> to vector<16xi32>
      %add3A_1193 = arith.constant 4100 : i32
      %add3A_1194 = vector.broadcast %add3A_1193 : i32 to vector<16xi32>
      %add3A_1195 = arith.addi %get3A_1192, %add3A_1194 : vector<16xi32>
      %swap3A_1196 = arith.constant 13 : i32
      %swap3A_1197 = arith.index_cast %swap3A_1196 : i32 to index
      %swap3A_1198 = arith.constant 64 : index
      %swap3A_1199 = tpu.vector_load %arg5[%swap3A_1197, %swap3A_1198] {strides = array<i32>} : memref<15x128xi32, #tpu.memory_space<vmem>>, vector<1x16xi32>,
      %swap3A_1200 = vector.shape_cast %swap3A_1199 : vector<1x16xi32> to vector<16xi32>
      %swap3A_1201 = vector.shape_cast %add3A_1195 : vector<16xi32> to vector<1x16xi32>
      tpu.vector_store %arg5[%swap3A_1197, %swap3A_1198], %swap3A_1201 {strides = array<i32>} : memref<15x128xi32, #tpu.memory_space<vmem>>, vector<1x16xi32>,
      %get3A_1202 = arith.constant 13 : i32
      %get3A_1203 = arith.index_cast %get3A_1202 : i32 to index
      %get3A_1204 = arith.constant 80 : index
      %get3A_1205 = tpu.vector_load %arg5[%get3A_1203, %get3A_1204] {strides = array<i32>} : memref<15x128xi32, #tpu.memory_space<vmem>>, vector<1x16xi32>,
      %get3A_1206 = vector.shape_cast %get3A_1205 : vector<1x16xi32> to vector<16xi32>
      %add3A_1207 = arith.constant 4100 : i32
      %add3A_1208 = vector.broadcast %add3A_1207 : i32 to vector<16xi32>
      %add3A_1209 = arith.addi %get3A_1206, %add3A_1208 : vector<16xi32>
      %swap3A_1210 = arith.constant 13 : i32
      %swap3A_1211 = arith.index_cast %swap3A_1210 : i32 to index
      %swap3A_1212 = arith.constant 80 : index
      %swap3A_1213 = tpu.vector_load %arg5[%swap3A_1211, %swap3A_1212] {strides = array<i32>} : memref<15x128xi32, #tpu.memory_space<vmem>>, vector<1x16xi32>,
      %swap3A_1214 = vector.shape_cast %swap3A_1213 : vector<1x16xi32> to vector<16xi32>
      %swap3A_1215 = vector.shape_cast %add3A_1209 : vector<16xi32> to vector<1x16xi32>
      tpu.vector_store %arg5[%swap3A_1211, %swap3A_1212], %swap3A_1215 {strides = array<i32>} : memref<15x128xi32, #tpu.memory_space<vmem>>, vector<1x16xi32>,
      %get3A_1216 = arith.constant 13 : i32
      %get3A_1217 = arith.index_cast %get3A_1216 : i32 to index
      %get3A_1218 = arith.constant 96 : index
      %get3A_1219 = tpu.vector_load %arg5[%get3A_1217, %get3A_1218] {strides = array<i32>} : memref<15x128xi32, #tpu.memory_space<vmem>>, vector<1x16xi32>,
      %get3A_1220 = vector.shape_cast %get3A_1219 : vector<1x16xi32> to vector<16xi32>
      %add3A_1221 = arith.constant 4100 : i32
      %add3A_1222 = vector.broadcast %add3A_1221 : i32 to vector<16xi32>
      %add3A_1223 = arith.addi %get3A_1220, %add3A_1222 : vector<16xi32>
      %swap3A_1224 = arith.constant 13 : i32
      %swap3A_1225 = arith.index_cast %swap3A_1224 : i32 to index
      %swap3A_1226 = arith.constant 96 : index
      %swap3A_1227 = tpu.vector_load %arg5[%swap3A_1225, %swap3A_1226] {strides = array<i32>} : memref<15x128xi32, #tpu.memory_space<vmem>>, vector<1x16xi32>,
      %swap3A_1228 = vector.shape_cast %swap3A_1227 : vector<1x16xi32> to vector<16xi32>
      %swap3A_1229 = vector.shape_cast %add3A_1223 : vector<16xi32> to vector<1x16xi32>
      tpu.vector_store %arg5[%swap3A_1225, %swap3A_1226], %swap3A_1229 {strides = array<i32>} : memref<15x128xi32, #tpu.memory_space<vmem>>, vector<1x16xi32>,
      %get3A_1230 = arith.constant 13 : i32
      %get3A_1231 = arith.index_cast %get3A_1230 : i32 to index
      %get3A_1232 = arith.constant 112 : index
      %get3A_1233 = tpu.vector_load %arg5[%get3A_1231, %get3A_1232] {strides = array<i32>} : memref<15x128xi32, #tpu.memory_space<vmem>>, vector<1x16xi32>,
      %get3A_1234 = vector.shape_cast %get3A_1233 : vector<1x16xi32> to vector<16xi32>
      %add3A_1235 = arith.constant 4100 : i32
      %add3A_1236 = vector.broadcast %add3A_1235 : i32 to vector<16xi32>
      %add3A_1237 = arith.addi %get3A_1234, %add3A_1236 : vector<16xi32>
      %swap3A_1238 = arith.constant 13 : i32
      %swap3A_1239 = arith.index_cast %swap3A_1238 : i32 to index
      %swap3A_1240 = arith.constant 112 : index
      %swap3A_1241 = tpu.vector_load %arg5[%swap3A_1239, %swap3A_1240] {strides = array<i32>} : memref<15x128xi32, #tpu.memory_space<vmem>>, vector<1x16xi32>,
      %swap3A_1242 = vector.shape_cast %swap3A_1241 : vector<1x16xi32> to vector<16xi32>
      %swap3A_1243 = vector.shape_cast %add3A_1237 : vector<16xi32> to vector<1x16xi32>
      tpu.vector_store %arg5[%swap3A_1239, %swap3A_1240], %swap3A_1243 {strides = array<i32>} : memref<15x128xi32, #tpu.memory_space<vmem>>, vector<1x16xi32>,
      %get3A_1244 = arith.constant 14 : i32
      %get3A_1245 = arith.index_cast %get3A_1244 : i32 to index
      %get3A_1246 = arith.constant 0 : index
      %get3A_1247 = tpu.vector_load %arg5[%get3A_1245, %get3A_1246] {strides = array<i32>} : memref<15x128xi32, #tpu.memory_space<vmem>>, vector<1x16xi32>,
      %get3A_1248 = vector.shape_cast %get3A_1247 : vector<1x16xi32> to vector<16xi32>
      %add3A_1249 = arith.constant 4100 : i32
      %add3A_1250 = vector.broadcast %add3A_1249 : i32 to vector<16xi32>
      %add3A_1251 = arith.addi %get3A_1248, %add3A_1250 : vector<16xi32>
      %swap3A_1252 = arith.constant 14 : i32
      %swap3A_1253 = arith.index_cast %swap3A_1252 : i32 to index
      %swap3A_1254 = arith.constant 0 : index
      %swap3A_1255 = tpu.vector_load %arg5[%swap3A_1253, %swap3A_1254] {strides = array<i32>} : memref<15x128xi32, #tpu.memory_space<vmem>>, vector<1x16xi32>,
      %swap3A_1256 = vector.shape_cast %swap3A_1255 : vector<1x16xi32> to vector<16xi32>
      %swap3A_1257 = vector.shape_cast %add3A_1251 : vector<16xi32> to vector<1x16xi32>
      tpu.vector_store %arg5[%swap3A_1253, %swap3A_1254], %swap3A_1257 {strides = array<i32>} : memref<15x128xi32, #tpu.memory_space<vmem>>, vector<1x16xi32>,
      %get3A_1258 = arith.constant 14 : i32
      %get3A_1259 = arith.index_cast %get3A_1258 : i32 to index
      %get3A_1260 = arith.constant 16 : index
      %get3A_1261 = tpu.vector_load %arg5[%get3A_1259, %get3A_1260] {strides = array<i32>} : memref<15x128xi32, #tpu.memory_space<vmem>>, vector<1x16xi32>,
      %get3A_1262 = vector.shape_cast %get3A_1261 : vector<1x16xi32> to vector<16xi32>
      %add3A_1263 = arith.constant 4100 : i32
      %add3A_1264 = vector.broadcast %add3A_1263 : i32 to vector<16xi32>
      %add3A_1265 = arith.addi %get3A_1262, %add3A_1264 : vector<16xi32>
      %swap3A_1266 = arith.constant 14 : i32
      %swap3A_1267 = arith.index_cast %swap3A_1266 : i32 to index
      %swap3A_1268 = arith.constant 16 : index
      %swap3A_1269 = tpu.vector_load %arg5[%swap3A_1267, %swap3A_1268] {strides = array<i32>} : memref<15x128xi32, #tpu.memory_space<vmem>>, vector<1x16xi32>,
      %swap3A_1270 = vector.shape_cast %swap3A_1269 : vector<1x16xi32> to vector<16xi32>
      %swap3A_1271 = vector.shape_cast %add3A_1265 : vector<16xi32> to vector<1x16xi32>
      tpu.vector_store %arg5[%swap3A_1267, %swap3A_1268], %swap3A_1271 {strides = array<i32>} : memref<15x128xi32, #tpu.memory_space<vmem>>, vector<1x16xi32>,
      %get3A_1272 = arith.constant 14 : i32
      %get3A_1273 = arith.index_cast %get3A_1272 : i32 to index
      %get3A_1274 = arith.constant 32 : index
      %get3A_1275 = tpu.vector_load %arg5[%get3A_1273, %get3A_1274] {strides = array<i32>} : memref<15x128xi32, #tpu.memory_space<vmem>>, vector<1x16xi32>,
      %get3A_1276 = vector.shape_cast %get3A_1275 : vector<1x16xi32> to vector<16xi32>
      %add3A_1277 = arith.constant 4100 : i32
      %add3A_1278 = vector.broadcast %add3A_1277 : i32 to vector<16xi32>
      %add3A_1279 = arith.addi %get3A_1276, %add3A_1278 : vector<16xi32>
      %swap3A_1280 = arith.constant 14 : i32
      %swap3A_1281 = arith.index_cast %swap3A_1280 : i32 to index
      %swap3A_1282 = arith.constant 32 : index
      %swap3A_1283 = tpu.vector_load %arg5[%swap3A_1281, %swap3A_1282] {strides = array<i32>} : memref<15x128xi32, #tpu.memory_space<vmem>>, vector<1x16xi32>,
      %swap3A_1284 = vector.shape_cast %swap3A_1283 : vector<1x16xi32> to vector<16xi32>
      %swap3A_1285 = vector.shape_cast %add3A_1279 : vector<16xi32> to vector<1x16xi32>
      tpu.vector_store %arg5[%swap3A_1281, %swap3A_1282], %swap3A_1285 {strides = array<i32>} : memref<15x128xi32, #tpu.memory_space<vmem>>, vector<1x16xi32>,
      %get3A_1286 = arith.constant 14 : i32
      %get3A_1287 = arith.index_cast %get3A_1286 : i32 to index
      %get3A_1288 = arith.constant 48 : index
      %get3A_1289 = tpu.vector_load %arg5[%get3A_1287, %get3A_1288] {strides = array<i32>} : memref<15x128xi32, #tpu.memory_space<vmem>>, vector<1x16xi32>,
      %get3A_1290 = vector.shape_cast %get3A_1289 : vector<1x16xi32> to vector<16xi32>
      %add3A_1291 = arith.constant 4100 : i32
      %add3A_1292 = vector.broadcast %add3A_1291 : i32 to vector<16xi32>
      %add3A_1293 = arith.addi %get3A_1290, %add3A_1292 : vector<16xi32>
      %swap3A_1294 = arith.constant 14 : i32
      %swap3A_1295 = arith.index_cast %swap3A_1294 : i32 to index
      %swap3A_1296 = arith.constant 48 : index
      %swap3A_1297 = tpu.vector_load %arg5[%swap3A_1295, %swap3A_1296] {strides = array<i32>} : memref<15x128xi32, #tpu.memory_space<vmem>>, vector<1x16xi32>,
      %swap3A_1298 = vector.shape_cast %swap3A_1297 : vector<1x16xi32> to vector<16xi32>
      %swap3A_1299 = vector.shape_cast %add3A_1293 : vector<16xi32> to vector<1x16xi32>
      tpu.vector_store %arg5[%swap3A_1295, %swap3A_1296], %swap3A_1299 {strides = array<i32>} : memref<15x128xi32, #tpu.memory_space<vmem>>, vector<1x16xi32>,
      %get3A_1300 = arith.constant 14 : i32
      %get3A_1301 = arith.index_cast %get3A_1300 : i32 to index
      %get3A_1302 = arith.constant 64 : index
      %get3A_1303 = tpu.vector_load %arg5[%get3A_1301, %get3A_1302] {strides = array<i32>} : memref<15x128xi32, #tpu.memory_space<vmem>>, vector<1x16xi32>,
      %get3A_1304 = vector.shape_cast %get3A_1303 : vector<1x16xi32> to vector<16xi32>
      %add3A_1305 = arith.constant 4100 : i32
      %add3A_1306 = vector.broadcast %add3A_1305 : i32 to vector<16xi32>
      %add3A_1307 = arith.addi %get3A_1304, %add3A_1306 : vector<16xi32>
      %swap3A_1308 = arith.constant 14 : i32
      %swap3A_1309 = arith.index_cast %swap3A_1308 : i32 to index
      %swap3A_1310 = arith.constant 64 : index
      %swap3A_1311 = tpu.vector_load %arg5[%swap3A_1309, %swap3A_1310] {strides = array<i32>} : memref<15x128xi32, #tpu.memory_space<vmem>>, vector<1x16xi32>,
      %swap3A_1312 = vector.shape_cast %swap3A_1311 : vector<1x16xi32> to vector<16xi32>
      %swap3A_1313 = vector.shape_cast %add3A_1307 : vector<16xi32> to vector<1x16xi32>
      tpu.vector_store %arg5[%swap3A_1309, %swap3A_1310], %swap3A_1313 {strides = array<i32>} : memref<15x128xi32, #tpu.memory_space<vmem>>, vector<1x16xi32>,
      %get3A_1314 = arith.constant 14 : i32
      %get3A_1315 = arith.index_cast %get3A_1314 : i32 to index
      %get3A_1316 = arith.constant 80 : index
      %get3A_1317 = tpu.vector_load %arg5[%get3A_1315, %get3A_1316] {strides = array<i32>} : memref<15x128xi32, #tpu.memory_space<vmem>>, vector<1x16xi32>,
      %get3A_1318 = vector.shape_cast %get3A_1317 : vector<1x16xi32> to vector<16xi32>
      %add3A_1319 = arith.constant 4100 : i32
      %add3A_1320 = vector.broadcast %add3A_1319 : i32 to vector<16xi32>
      %add3A_1321 = arith.addi %get3A_1318, %add3A_1320 : vector<16xi32>
      %swap3A_1322 = arith.constant 14 : i32
      %swap3A_1323 = arith.index_cast %swap3A_1322 : i32 to index
      %swap3A_1324 = arith.constant 80 : index
      %swap3A_1325 = tpu.vector_load %arg5[%swap3A_1323, %swap3A_1324] {strides = array<i32>} : memref<15x128xi32, #tpu.memory_space<vmem>>, vector<1x16xi32>,
      %swap3A_1326 = vector.shape_cast %swap3A_1325 : vector<1x16xi32> to vector<16xi32>
      %swap3A_1327 = vector.shape_cast %add3A_1321 : vector<16xi32> to vector<1x16xi32>
      tpu.vector_store %arg5[%swap3A_1323, %swap3A_1324], %swap3A_1327 {strides = array<i32>} : memref<15x128xi32, #tpu.memory_space<vmem>>, vector<1x16xi32>,
      %get3A_1328 = arith.constant 14 : i32
      %get3A_1329 = arith.index_cast %get3A_1328 : i32 to index
      %get3A_1330 = arith.constant 96 : index
      %get3A_1331 = tpu.vector_load %arg5[%get3A_1329, %get3A_1330] {strides = array<i32>} : memref<15x128xi32, #tpu.memory_space<vmem>>, vector<1x16xi32>,
      %get3A_1332 = vector.shape_cast %get3A_1331 : vector<1x16xi32> to vector<16xi32>
      %add3A_1333 = arith.constant 4100 : i32
      %add3A_1334 = vector.broadcast %add3A_1333 : i32 to vector<16xi32>
      %add3A_1335 = arith.addi %get3A_1332, %add3A_1334 : vector<16xi32>
      %swap3A_1336 = arith.constant 14 : i32
      %swap3A_1337 = arith.index_cast %swap3A_1336 : i32 to index
      %swap3A_1338 = arith.constant 96 : index
      %swap3A_1339 = tpu.vector_load %arg5[%swap3A_1337, %swap3A_1338] {strides = array<i32>} : memref<15x128xi32, #tpu.memory_space<vmem>>, vector<1x16xi32>,
      %swap3A_1340 = vector.shape_cast %swap3A_1339 : vector<1x16xi32> to vector<16xi32>
      %swap3A_1341 = vector.shape_cast %add3A_1335 : vector<16xi32> to vector<1x16xi32>
      tpu.vector_store %arg5[%swap3A_1337, %swap3A_1338], %swap3A_1341 {strides = array<i32>} : memref<15x128xi32, #tpu.memory_space<vmem>>, vector<1x16xi32>,
      %get3A_1342 = arith.constant 14 : i32
      %get3A_1343 = arith.index_cast %get3A_1342 : i32 to index
      %get3A_1344 = arith.constant 112 : index
      %get3A_1345 = tpu.vector_load %arg5[%get3A_1343, %get3A_1344] {strides = array<i32>} : memref<15x128xi32, #tpu.memory_space<vmem>>, vector<1x16xi32>,
      %get3A_1346 = vector.shape_cast %get3A_1345 : vector<1x16xi32> to vector<16xi32>
      %add3A_1347 = arith.constant 4100 : i32
      %add3A_1348 = vector.broadcast %add3A_1347 : i32 to vector<16xi32>
      %add3A_1349 = arith.addi %get3A_1346, %add3A_1348 : vector<16xi32>
      %swap3A_1350 = arith.constant 14 : i32
      %swap3A_1351 = arith.index_cast %swap3A_1350 : i32 to index
      %swap3A_1352 = arith.constant 112 : index
      %swap3A_1353 = tpu.vector_load %arg5[%swap3A_1351, %swap3A_1352] {strides = array<i32>} : memref<15x128xi32, #tpu.memory_space<vmem>>, vector<1x16xi32>,
      %swap3A_1354 = vector.shape_cast %swap3A_1353 : vector<1x16xi32> to vector<16xi32>
      %swap3A_1355 = vector.shape_cast %add3A_1349 : vector<16xi32> to vector<1x16xi32>
      tpu.vector_store %arg5[%swap3A_1351, %swap3A_1352], %swap3A_1355 {strides = array<i32>} : memref<15x128xi32, #tpu.memory_space<vmem>>, vector<1x16xi32>,
      %broadcast_in_dim3A = arith.constant 0.000000e+00 : bf16
      %broadcast_in_dim3A_1356 = vector.broadcast %broadcast_in_dim3A : bf16 to vector<32xbf16>
      %scan3A_1357 = arith.constant 0 : i32
      %scan3A_1358 = arith.constant 0 : i32
      %scan3A_1359 = arith.constant 128 : i32
      %scan3A_1360 = arith.addi %scan3A_1358, %scan3A_1359 : i32
      %scan3A_1361 = arith.constant 1 : i32
      %scan3A_1362 = scf.for %scan3A_1580 = %scan3A_1358 to %scan3A_1360 step %scan3A_1361 iter_args(%scan3A_1581 = %scan3A_1357) -> (i32)  : i32 {
        %swap3A_1582 = arith.index_cast %scan3A_1580 : i32 to index
        %swap3A_1583 = arith.constant 0 : index
        %swap3A_1584 = tpu.vector_load %arg6[%swap3A_1582, %swap3A_1583] {strides = array<i32>} : memref<128x32xbf16, #tpu.memory_space<vmem>>, vector<1x32xbf16>,
        %swap3A_1585 = vector.shape_cast %swap3A_1584 : vector<1x32xbf16> to vector<32xbf16>
        %swap3A_1586 = vector.shape_cast %broadcast_in_dim3A_1356 : vector<32xbf16> to vector<1x32xbf16>
        tpu.vector_store %arg6[%swap3A_1582, %swap3A_1583], %swap3A_1586 {strides = array<i32>} : memref<128x32xbf16, #tpu.memory_space<vmem>>, vector<1x32xbf16>,
        %scan3A_1587 = arith.constant 0 : i32
        scf.yield %scan3A_1587 : i32
      }
      %scan3A_1363 = arith.constant 128 : i32
      %dma_start3A = arith.constant 0 : i32
      %dma_start3A_1364 = arith.constant 0 : i32
      %dma_start3A_1365 = tpu.memref_slice %arg5[%dma_start3A, %dma_start3A_1364] : memref<15x128xi32, #tpu.memory_space<vmem>> -> memref<1x128xi32, #tpu.memory_space<vmem>>
      %dma_start3A_1366 = tpu.memref_squeeze %dma_start3A_1365 : memref<1x128xi32, #tpu.memory_space<vmem>> -> memref<128xi32, #tpu.memory_space<vmem>>
      %dma_start3A_1367 = arith.constant 0 : i32
      %dma_start3A_1368 = arith.constant 0 : i32
      %dma_start3A_1369 = tpu.memref_slice %arg2[%dma_start3A_1367, %dma_start3A_1368] : memref<5125x32xbf16, #tpu.memory_space<hbm>> -> memref<5125x32xbf16, #tpu.memory_space<hbm>>
      tpu.enqueue_indirect_dma source(%dma_start3A_1369 : memref<5125x32xbf16, #tpu.memory_space<hbm>>) target(%arg6 : memref<128x32xbf16, #tpu.memory_space<vmem>>) offsets(%dma_start3A_1366 : memref<128xi32, #tpu.memory_space<vmem>>) semaphore(%arg7 : memref<!tpu.dma_semaphore, #tpu.memory_space<semaphore_mem>>) {add = true}
      %dma_start3A_1370 = arith.constant 1 : i32
      %dma_start3A_1371 = arith.constant 0 : i32
      %dma_start3A_1372 = tpu.memref_slice %arg5[%dma_start3A_1370, %dma_start3A_1371] : memref<15x128xi32, #tpu.memory_space<vmem>> -> memref<1x128xi32, #tpu.memory_space<vmem>>
      %dma_start3A_1373 = tpu.memref_squeeze %dma_start3A_1372 : memref<1x128xi32, #tpu.memory_space<vmem>> -> memref<128xi32, #tpu.memory_space<vmem>>
      %dma_start3A_1374 = arith.constant 0 : i32
      %dma_start3A_1375 = arith.constant 0 : i32
      %dma_start3A_1376 = tpu.memref_slice %arg2[%dma_start3A_1374, %dma_start3A_1375] : memref<5125x32xbf16, #tpu.memory_space<hbm>> -> memref<5125x32xbf16, #tpu.memory_space<hbm>>
      tpu.enqueue_indirect_dma source(%dma_start3A_1376 : memref<5125x32xbf16, #tpu.memory_space<hbm>>) target(%arg6 : memref<128x32xbf16, #tpu.memory_space<vmem>>) offsets(%dma_start3A_1373 : memref<128xi32, #tpu.memory_space<vmem>>) semaphore(%arg7 : memref<!tpu.dma_semaphore, #tpu.memory_space<semaphore_mem>>) {add = true}
      %dma_start3A_1377 = arith.constant 2 : i32
      %dma_start3A_1378 = arith.constant 0 : i32
      %dma_start3A_1379 = tpu.memref_slice %arg5[%dma_start3A_1377, %dma_start3A_1378] : memref<15x128xi32, #tpu.memory_space<vmem>> -> memref<1x128xi32, #tpu.memory_space<vmem>>
      %dma_start3A_1380 = tpu.memref_squeeze %dma_start3A_1379 : memref<1x128xi32, #tpu.memory_space<vmem>> -> memref<128xi32, #tpu.memory_space<vmem>>
      %dma_start3A_1381 = arith.constant 0 : i32
      %dma_start3A_1382 = arith.constant 0 : i32
      %dma_start3A_1383 = tpu.memref_slice %arg2[%dma_start3A_1381, %dma_start3A_1382] : memref<5125x32xbf16, #tpu.memory_space<hbm>> -> memref<5125x32xbf16, #tpu.memory_space<hbm>>
      tpu.enqueue_indirect_dma source(%dma_start3A_1383 : memref<5125x32xbf16, #tpu.memory_space<hbm>>) target(%arg6 : memref<128x32xbf16, #tpu.memory_space<vmem>>) offsets(%dma_start3A_1380 : memref<128xi32, #tpu.memory_space<vmem>>) semaphore(%arg7 : memref<!tpu.dma_semaphore, #tpu.memory_space<semaphore_mem>>) {add = true}
      %dma_start3A_1384 = arith.constant 3 : i32
      %dma_start3A_1385 = arith.constant 0 : i32
      %dma_start3A_1386 = tpu.memref_slice %arg5[%dma_start3A_1384, %dma_start3A_1385] : memref<15x128xi32, #tpu.memory_space<vmem>> -> memref<1x128xi32, #tpu.memory_space<vmem>>
      %dma_start3A_1387 = tpu.memref_squeeze %dma_start3A_1386 : memref<1x128xi32, #tpu.memory_space<vmem>> -> memref<128xi32, #tpu.memory_space<vmem>>
      %dma_start3A_1388 = arith.constant 0 : i32
      %dma_start3A_1389 = arith.constant 0 : i32
      %dma_start3A_1390 = tpu.memref_slice %arg2[%dma_start3A_1388, %dma_start3A_1389] : memref<5125x32xbf16, #tpu.memory_space<hbm>> -> memref<5125x32xbf16, #tpu.memory_space<hbm>>
      tpu.enqueue_indirect_dma source(%dma_start3A_1390 : memref<5125x32xbf16, #tpu.memory_space<hbm>>) target(%arg6 : memref<128x32xbf16, #tpu.memory_space<vmem>>) offsets(%dma_start3A_1387 : memref<128xi32, #tpu.memory_space<vmem>>) semaphore(%arg7 : memref<!tpu.dma_semaphore, #tpu.memory_space<semaphore_mem>>) {add = true}
      %dma_start3A_1391 = arith.constant 4 : i32
      %dma_start3A_1392 = arith.constant 0 : i32
      %dma_start3A_1393 = tpu.memref_slice %arg5[%dma_start3A_1391, %dma_start3A_1392] : memref<15x128xi32, #tpu.memory_space<vmem>> -> memref<1x128xi32, #tpu.memory_space<vmem>>
      %dma_start3A_1394 = tpu.memref_squeeze %dma_start3A_1393 : memref<1x128xi32, #tpu.memory_space<vmem>> -> memref<128xi32, #tpu.memory_space<vmem>>
      %dma_start3A_1395 = arith.constant 0 : i32
      %dma_start3A_1396 = arith.constant 0 : i32
      %dma_start3A_1397 = tpu.memref_slice %arg2[%dma_start3A_1395, %dma_start3A_1396] : memref<5125x32xbf16, #tpu.memory_space<hbm>> -> memref<5125x32xbf16, #tpu.memory_space<hbm>>
      tpu.enqueue_indirect_dma source(%dma_start3A_1397 : memref<5125x32xbf16, #tpu.memory_space<hbm>>) target(%arg6 : memref<128x32xbf16, #tpu.memory_space<vmem>>) offsets(%dma_start3A_1394 : memref<128xi32, #tpu.memory_space<vmem>>) semaphore(%arg7 : memref<!tpu.dma_semaphore, #tpu.memory_space<semaphore_mem>>) {add = true}
      %dma_start3A_1398 = arith.constant 5 : i32
      %dma_start3A_1399 = arith.constant 0 : i32
      %dma_start3A_1400 = tpu.memref_slice %arg5[%dma_start3A_1398, %dma_start3A_1399] : memref<15x128xi32, #tpu.memory_space<vmem>> -> memref<1x128xi32, #tpu.memory_space<vmem>>
      %dma_start3A_1401 = tpu.memref_squeeze %dma_start3A_1400 : memref<1x128xi32, #tpu.memory_space<vmem>> -> memref<128xi32, #tpu.memory_space<vmem>>
      %dma_start3A_1402 = arith.constant 0 : i32
      %dma_start3A_1403 = arith.constant 0 : i32
      %dma_start3A_1404 = tpu.memref_slice %arg2[%dma_start3A_1402, %dma_start3A_1403] : memref<5125x32xbf16, #tpu.memory_space<hbm>> -> memref<5125x32xbf16, #tpu.memory_space<hbm>>
      tpu.enqueue_indirect_dma source(%dma_start3A_1404 : memref<5125x32xbf16, #tpu.memory_space<hbm>>) target(%arg6 : memref<128x32xbf16, #tpu.memory_space<vmem>>) offsets(%dma_start3A_1401 : memref<128xi32, #tpu.memory_space<vmem>>) semaphore(%arg7 : memref<!tpu.dma_semaphore, #tpu.memory_space<semaphore_mem>>) {add = true}
      %dma_start3A_1405 = arith.constant 6 : i32
      %dma_start3A_1406 = arith.constant 0 : i32
      %dma_start3A_1407 = tpu.memref_slice %arg5[%dma_start3A_1405, %dma_start3A_1406] : memref<15x128xi32, #tpu.memory_space<vmem>> -> memref<1x128xi32, #tpu.memory_space<vmem>>
      %dma_start3A_1408 = tpu.memref_squeeze %dma_start3A_1407 : memref<1x128xi32, #tpu.memory_space<vmem>> -> memref<128xi32, #tpu.memory_space<vmem>>
      %dma_start3A_1409 = arith.constant 0 : i32
      %dma_start3A_1410 = arith.constant 0 : i32
      %dma_start3A_1411 = tpu.memref_slice %arg2[%dma_start3A_1409, %dma_start3A_1410] : memref<5125x32xbf16, #tpu.memory_space<hbm>> -> memref<5125x32xbf16, #tpu.memory_space<hbm>>
      tpu.enqueue_indirect_dma source(%dma_start3A_1411 : memref<5125x32xbf16, #tpu.memory_space<hbm>>) target(%arg6 : memref<128x32xbf16, #tpu.memory_space<vmem>>) offsets(%dma_start3A_1408 : memref<128xi32, #tpu.memory_space<vmem>>) semaphore(%arg7 : memref<!tpu.dma_semaphore, #tpu.memory_space<semaphore_mem>>) {add = true}
      %dma_start3A_1412 = arith.constant 7 : i32
      %dma_start3A_1413 = arith.constant 0 : i32
      %dma_start3A_1414 = tpu.memref_slice %arg5[%dma_start3A_1412, %dma_start3A_1413] : memref<15x128xi32, #tpu.memory_space<vmem>> -> memref<1x128xi32, #tpu.memory_space<vmem>>
      %dma_start3A_1415 = tpu.memref_squeeze %dma_start3A_1414 : memref<1x128xi32, #tpu.memory_space<vmem>> -> memref<128xi32, #tpu.memory_space<vmem>>
      %dma_start3A_1416 = arith.constant 0 : i32
      %dma_start3A_1417 = arith.constant 0 : i32
      %dma_start3A_1418 = tpu.memref_slice %arg2[%dma_start3A_1416, %dma_start3A_1417] : memref<5125x32xbf16, #tpu.memory_space<hbm>> -> memref<5125x32xbf16, #tpu.memory_space<hbm>>
      tpu.enqueue_indirect_dma source(%dma_start3A_1418 : memref<5125x32xbf16, #tpu.memory_space<hbm>>) target(%arg6 : memref<128x32xbf16, #tpu.memory_space<vmem>>) offsets(%dma_start3A_1415 : memref<128xi32, #tpu.memory_space<vmem>>) semaphore(%arg7 : memref<!tpu.dma_semaphore, #tpu.memory_space<semaphore_mem>>) {add = true}
      %dma_start3A_1419 = arith.constant 8 : i32
      %dma_start3A_1420 = arith.constant 0 : i32
      %dma_start3A_1421 = tpu.memref_slice %arg5[%dma_start3A_1419, %dma_start3A_1420] : memref<15x128xi32, #tpu.memory_space<vmem>> -> memref<1x128xi32, #tpu.memory_space<vmem>>
      %dma_start3A_1422 = tpu.memref_squeeze %dma_start3A_1421 : memref<1x128xi32, #tpu.memory_space<vmem>> -> memref<128xi32, #tpu.memory_space<vmem>>
      %dma_start3A_1423 = arith.constant 0 : i32
      %dma_start3A_1424 = arith.constant 0 : i32
      %dma_start3A_1425 = tpu.memref_slice %arg2[%dma_start3A_1423, %dma_start3A_1424] : memref<5125x32xbf16, #tpu.memory_space<hbm>> -> memref<5125x32xbf16, #tpu.memory_space<hbm>>
      tpu.enqueue_indirect_dma source(%dma_start3A_1425 : memref<5125x32xbf16, #tpu.memory_space<hbm>>) target(%arg6 : memref<128x32xbf16, #tpu.memory_space<vmem>>) offsets(%dma_start3A_1422 : memref<128xi32, #tpu.memory_space<vmem>>) semaphore(%arg7 : memref<!tpu.dma_semaphore, #tpu.memory_space<semaphore_mem>>) {add = true}
      %dma_start3A_1426 = arith.constant 9 : i32
      %dma_start3A_1427 = arith.constant 0 : i32
      %dma_start3A_1428 = tpu.memref_slice %arg5[%dma_start3A_1426, %dma_start3A_1427] : memref<15x128xi32, #tpu.memory_space<vmem>> -> memref<1x128xi32, #tpu.memory_space<vmem>>
      %dma_start3A_1429 = tpu.memref_squeeze %dma_start3A_1428 : memref<1x128xi32, #tpu.memory_space<vmem>> -> memref<128xi32, #tpu.memory_space<vmem>>
      %dma_start3A_1430 = arith.constant 0 : i32
      %dma_start3A_1431 = arith.constant 0 : i32
      %dma_start3A_1432 = tpu.memref_slice %arg2[%dma_start3A_1430, %dma_start3A_1431] : memref<5125x32xbf16, #tpu.memory_space<hbm>> -> memref<5125x32xbf16, #tpu.memory_space<hbm>>
      tpu.enqueue_indirect_dma source(%dma_start3A_1432 : memref<5125x32xbf16, #tpu.memory_space<hbm>>) target(%arg6 : memref<128x32xbf16, #tpu.memory_space<vmem>>) offsets(%dma_start3A_1429 : memref<128xi32, #tpu.memory_space<vmem>>) semaphore(%arg7 : memref<!tpu.dma_semaphore, #tpu.memory_space<semaphore_mem>>) {add = true}
      %dma_start3A_1433 = arith.constant 10 : i32
      %dma_start3A_1434 = arith.constant 0 : i32
      %dma_start3A_1435 = tpu.memref_slice %arg5[%dma_start3A_1433, %dma_start3A_1434] : memref<15x128xi32, #tpu.memory_space<vmem>> -> memref<1x128xi32, #tpu.memory_space<vmem>>
      %dma_start3A_1436 = tpu.memref_squeeze %dma_start3A_1435 : memref<1x128xi32, #tpu.memory_space<vmem>> -> memref<128xi32, #tpu.memory_space<vmem>>
      %dma_start3A_1437 = arith.constant 0 : i32
      %dma_start3A_1438 = arith.constant 0 : i32
      %dma_start3A_1439 = tpu.memref_slice %arg2[%dma_start3A_1437, %dma_start3A_1438] : memref<5125x32xbf16, #tpu.memory_space<hbm>> -> memref<5125x32xbf16, #tpu.memory_space<hbm>>
      tpu.enqueue_indirect_dma source(%dma_start3A_1439 : memref<5125x32xbf16, #tpu.memory_space<hbm>>) target(%arg6 : memref<128x32xbf16, #tpu.memory_space<vmem>>) offsets(%dma_start3A_1436 : memref<128xi32, #tpu.memory_space<vmem>>) semaphore(%arg7 : memref<!tpu.dma_semaphore, #tpu.memory_space<semaphore_mem>>) {add = true}
      %dma_start3A_1440 = arith.constant 11 : i32
      %dma_start3A_1441 = arith.constant 0 : i32
      %dma_start3A_1442 = tpu.memref_slice %arg5[%dma_start3A_1440, %dma_start3A_1441] : memref<15x128xi32, #tpu.memory_space<vmem>> -> memref<1x128xi32, #tpu.memory_space<vmem>>
      %dma_start3A_1443 = tpu.memref_squeeze %dma_start3A_1442 : memref<1x128xi32, #tpu.memory_space<vmem>> -> memref<128xi32, #tpu.memory_space<vmem>>
      %dma_start3A_1444 = arith.constant 0 : i32
      %dma_start3A_1445 = arith.constant 0 : i32
      %dma_start3A_1446 = tpu.memref_slice %arg2[%dma_start3A_1444, %dma_start3A_1445] : memref<5125x32xbf16, #tpu.memory_space<hbm>> -> memref<5125x32xbf16, #tpu.memory_space<hbm>>
      tpu.enqueue_indirect_dma source(%dma_start3A_1446 : memref<5125x32xbf16, #tpu.memory_space<hbm>>) target(%arg6 : memref<128x32xbf16, #tpu.memory_space<vmem>>) offsets(%dma_start3A_1443 : memref<128xi32, #tpu.memory_space<vmem>>) semaphore(%arg7 : memref<!tpu.dma_semaphore, #tpu.memory_space<semaphore_mem>>) {add = true}
      %dma_start3A_1447 = arith.constant 12 : i32
      %dma_start3A_1448 = arith.constant 0 : i32
      %dma_start3A_1449 = tpu.memref_slice %arg5[%dma_start3A_1447, %dma_start3A_1448] : memref<15x128xi32, #tpu.memory_space<vmem>> -> memref<1x128xi32, #tpu.memory_space<vmem>>
      %dma_start3A_1450 = tpu.memref_squeeze %dma_start3A_1449 : memref<1x128xi32, #tpu.memory_space<vmem>> -> memref<128xi32, #tpu.memory_space<vmem>>
      %dma_start3A_1451 = arith.constant 0 : i32
      %dma_start3A_1452 = arith.constant 0 : i32
      %dma_start3A_1453 = tpu.memref_slice %arg2[%dma_start3A_1451, %dma_start3A_1452] : memref<5125x32xbf16, #tpu.memory_space<hbm>> -> memref<5125x32xbf16, #tpu.memory_space<hbm>>
      tpu.enqueue_indirect_dma source(%dma_start3A_1453 : memref<5125x32xbf16, #tpu.memory_space<hbm>>) target(%arg6 : memref<128x32xbf16, #tpu.memory_space<vmem>>) offsets(%dma_start3A_1450 : memref<128xi32, #tpu.memory_space<vmem>>) semaphore(%arg7 : memref<!tpu.dma_semaphore, #tpu.memory_space<semaphore_mem>>) {add = true}
      %dma_start3A_1454 = arith.constant 13 : i32
      %dma_start3A_1455 = arith.constant 0 : i32
      %dma_start3A_1456 = tpu.memref_slice %arg5[%dma_start3A_1454, %dma_start3A_1455] : memref<15x128xi32, #tpu.memory_space<vmem>> -> memref<1x128xi32, #tpu.memory_space<vmem>>
      %dma_start3A_1457 = tpu.memref_squeeze %dma_start3A_1456 : memref<1x128xi32, #tpu.memory_space<vmem>> -> memref<128xi32, #tpu.memory_space<vmem>>
      %dma_start3A_1458 = arith.constant 0 : i32
      %dma_start3A_1459 = arith.constant 0 : i32
      %dma_start3A_1460 = tpu.memref_slice %arg2[%dma_start3A_1458, %dma_start3A_1459] : memref<5125x32xbf16, #tpu.memory_space<hbm>> -> memref<5125x32xbf16, #tpu.memory_space<hbm>>
      tpu.enqueue_indirect_dma source(%dma_start3A_1460 : memref<5125x32xbf16, #tpu.memory_space<hbm>>) target(%arg6 : memref<128x32xbf16, #tpu.memory_space<vmem>>) offsets(%dma_start3A_1457 : memref<128xi32, #tpu.memory_space<vmem>>) semaphore(%arg7 : memref<!tpu.dma_semaphore, #tpu.memory_space<semaphore_mem>>) {add = true}
      %dma_start3A_1461 = arith.constant 14 : i32
      %dma_start3A_1462 = arith.constant 0 : i32
      %dma_start3A_1463 = tpu.memref_slice %arg5[%dma_start3A_1461, %dma_start3A_1462] : memref<15x128xi32, #tpu.memory_space<vmem>> -> memref<1x128xi32, #tpu.memory_space<vmem>>
      %dma_start3A_1464 = tpu.memref_squeeze %dma_start3A_1463 : memref<1x128xi32, #tpu.memory_space<vmem>> -> memref<128xi32, #tpu.memory_space<vmem>>
      %dma_start3A_1465 = arith.constant 0 : i32
      %dma_start3A_1466 = arith.constant 0 : i32
      %dma_start3A_1467 = tpu.memref_slice %arg2[%dma_start3A_1465, %dma_start3A_1466] : memref<5125x32xbf16, #tpu.memory_space<hbm>> -> memref<5125x32xbf16, #tpu.memory_space<hbm>>
      tpu.enqueue_indirect_dma source(%dma_start3A_1467 : memref<5125x32xbf16, #tpu.memory_space<hbm>>) target(%arg6 : memref<128x32xbf16, #tpu.memory_space<vmem>>) offsets(%dma_start3A_1464 : memref<128xi32, #tpu.memory_space<vmem>>) semaphore(%arg7 : memref<!tpu.dma_semaphore, #tpu.memory_space<semaphore_mem>>) {add = true}
      %dma_wait3A = arith.constant 0 : i32
      %dma_wait3A_1468 = arith.constant 0 : i32
      %dma_wait3A_1469 = tpu.memref_slice %arg5[%dma_wait3A, %dma_wait3A_1468] : memref<15x128xi32, #tpu.memory_space<vmem>> -> memref<1x128xi32, #tpu.memory_space<vmem>>
      %dma_wait3A_1470 = tpu.memref_squeeze %dma_wait3A_1469 : memref<1x128xi32, #tpu.memory_space<vmem>> -> memref<128xi32, #tpu.memory_space<vmem>>
      %dma_wait3A_1471 = arith.constant 0 : i32
      %dma_wait3A_1472 = arith.constant 0 : i32
      %dma_wait3A_1473 = tpu.memref_slice %arg2[%dma_wait3A_1471, %dma_wait3A_1472] : memref<5125x32xbf16, #tpu.memory_space<hbm>> -> memref<5125x32xbf16, #tpu.memory_space<hbm>>
      tpu.wait_indirect_dma semaphore(%arg7 : memref<!tpu.dma_semaphore, #tpu.memory_space<semaphore_mem>>) src(%dma_wait3A_1473 : memref<5125x32xbf16, #tpu.memory_space<hbm>>) dst(%arg6 : memref<128x32xbf16, #tpu.memory_space<vmem>>)
      %dma_wait3A_1474 = arith.constant 1 : i32
      %dma_wait3A_1475 = arith.constant 0 : i32
      %dma_wait3A_1476 = tpu.memref_slice %arg5[%dma_wait3A_1474, %dma_wait3A_1475] : memref<15x128xi32, #tpu.memory_space<vmem>> -> memref<1x128xi32, #tpu.memory_space<vmem>>
      %dma_wait3A_1477 = tpu.memref_squeeze %dma_wait3A_1476 : memref<1x128xi32, #tpu.memory_space<vmem>> -> memref<128xi32, #tpu.memory_space<vmem>>
      %dma_wait3A_1478 = arith.constant 0 : i32
      %dma_wait3A_1479 = arith.constant 0 : i32
      %dma_wait3A_1480 = tpu.memref_slice %arg2[%dma_wait3A_1478, %dma_wait3A_1479] : memref<5125x32xbf16, #tpu.memory_space<hbm>> -> memref<5125x32xbf16, #tpu.memory_space<hbm>>
      tpu.wait_indirect_dma semaphore(%arg7 : memref<!tpu.dma_semaphore, #tpu.memory_space<semaphore_mem>>) src(%dma_wait3A_1480 : memref<5125x32xbf16, #tpu.memory_space<hbm>>) dst(%arg6 : memref<128x32xbf16, #tpu.memory_space<vmem>>)
      %dma_wait3A_1481 = arith.constant 2 : i32
      %dma_wait3A_1482 = arith.constant 0 : i32
      %dma_wait3A_1483 = tpu.memref_slice %arg5[%dma_wait3A_1481, %dma_wait3A_1482] : memref<15x128xi32, #tpu.memory_space<vmem>> -> memref<1x128xi32, #tpu.memory_space<vmem>>
      %dma_wait3A_1484 = tpu.memref_squeeze %dma_wait3A_1483 : memref<1x128xi32, #tpu.memory_space<vmem>> -> memref<128xi32, #tpu.memory_space<vmem>>
      %dma_wait3A_1485 = arith.constant 0 : i32
      %dma_wait3A_1486 = arith.constant 0 : i32
      %dma_wait3A_1487 = tpu.memref_slice %arg2[%dma_wait3A_1485, %dma_wait3A_1486] : memref<5125x32xbf16, #tpu.memory_space<hbm>> -> memref<5125x32xbf16, #tpu.memory_space<hbm>>
      tpu.wait_indirect_dma semaphore(%arg7 : memref<!tpu.dma_semaphore, #tpu.memory_space<semaphore_mem>>) src(%dma_wait3A_1487 : memref<5125x32xbf16, #tpu.memory_space<hbm>>) dst(%arg6 : memref<128x32xbf16, #tpu.memory_space<vmem>>)
      %dma_wait3A_1488 = arith.constant 3 : i32
      %dma_wait3A_1489 = arith.constant 0 : i32
      %dma_wait3A_1490 = tpu.memref_slice %arg5[%dma_wait3A_1488, %dma_wait3A_1489] : memref<15x128xi32, #tpu.memory_space<vmem>> -> memref<1x128xi32, #tpu.memory_space<vmem>>
      %dma_wait3A_1491 = tpu.memref_squeeze %dma_wait3A_1490 : memref<1x128xi32, #tpu.memory_space<vmem>> -> memref<128xi32, #tpu.memory_space<vmem>>
      %dma_wait3A_1492 = arith.constant 0 : i32
      %dma_wait3A_1493 = arith.constant 0 : i32
      %dma_wait3A_1494 = tpu.memref_slice %arg2[%dma_wait3A_1492, %dma_wait3A_1493] : memref<5125x32xbf16, #tpu.memory_space<hbm>> -> memref<5125x32xbf16, #tpu.memory_space<hbm>>
      tpu.wait_indirect_dma semaphore(%arg7 : memref<!tpu.dma_semaphore, #tpu.memory_space<semaphore_mem>>) src(%dma_wait3A_1494 : memref<5125x32xbf16, #tpu.memory_space<hbm>>) dst(%arg6 : memref<128x32xbf16, #tpu.memory_space<vmem>>)
      %dma_wait3A_1495 = arith.constant 4 : i32
      %dma_wait3A_1496 = arith.constant 0 : i32
      %dma_wait3A_1497 = tpu.memref_slice %arg5[%dma_wait3A_1495, %dma_wait3A_1496] : memref<15x128xi32, #tpu.memory_space<vmem>> -> memref<1x128xi32, #tpu.memory_space<vmem>>
      %dma_wait3A_1498 = tpu.memref_squeeze %dma_wait3A_1497 : memref<1x128xi32, #tpu.memory_space<vmem>> -> memref<128xi32, #tpu.memory_space<vmem>>
      %dma_wait3A_1499 = arith.constant 0 : i32
      %dma_wait3A_1500 = arith.constant 0 : i32
      %dma_wait3A_1501 = tpu.memref_slice %arg2[%dma_wait3A_1499, %dma_wait3A_1500] : memref<5125x32xbf16, #tpu.memory_space<hbm>> -> memref<5125x32xbf16, #tpu.memory_space<hbm>>
      tpu.wait_indirect_dma semaphore(%arg7 : memref<!tpu.dma_semaphore, #tpu.memory_space<semaphore_mem>>) src(%dma_wait3A_1501 : memref<5125x32xbf16, #tpu.memory_space<hbm>>) dst(%arg6 : memref<128x32xbf16, #tpu.memory_space<vmem>>)
      %dma_wait3A_1502 = arith.constant 5 : i32
      %dma_wait3A_1503 = arith.constant 0 : i32
      %dma_wait3A_1504 = tpu.memref_slice %arg5[%dma_wait3A_1502, %dma_wait3A_1503] : memref<15x128xi32, #tpu.memory_space<vmem>> -> memref<1x128xi32, #tpu.memory_space<vmem>>
      %dma_wait3A_1505 = tpu.memref_squeeze %dma_wait3A_1504 : memref<1x128xi32, #tpu.memory_space<vmem>> -> memref<128xi32, #tpu.memory_space<vmem>>
      %dma_wait3A_1506 = arith.constant 0 : i32
      %dma_wait3A_1507 = arith.constant 0 : i32
      %dma_wait3A_1508 = tpu.memref_slice %arg2[%dma_wait3A_1506, %dma_wait3A_1507] : memref<5125x32xbf16, #tpu.memory_space<hbm>> -> memref<5125x32xbf16, #tpu.memory_space<hbm>>
      tpu.wait_indirect_dma semaphore(%arg7 : memref<!tpu.dma_semaphore, #tpu.memory_space<semaphore_mem>>) src(%dma_wait3A_1508 : memref<5125x32xbf16, #tpu.memory_space<hbm>>) dst(%arg6 : memref<128x32xbf16, #tpu.memory_space<vmem>>)
      %dma_wait3A_1509 = arith.constant 6 : i32
      %dma_wait3A_1510 = arith.constant 0 : i32
      %dma_wait3A_1511 = tpu.memref_slice %arg5[%dma_wait3A_1509, %dma_wait3A_1510] : memref<15x128xi32, #tpu.memory_space<vmem>> -> memref<1x128xi32, #tpu.memory_space<vmem>>
      %dma_wait3A_1512 = tpu.memref_squeeze %dma_wait3A_1511 : memref<1x128xi32, #tpu.memory_space<vmem>> -> memref<128xi32, #tpu.memory_space<vmem>>
      %dma_wait3A_1513 = arith.constant 0 : i32
      %dma_wait3A_1514 = arith.constant 0 : i32
      %dma_wait3A_1515 = tpu.memref_slice %arg2[%dma_wait3A_1513, %dma_wait3A_1514] : memref<5125x32xbf16, #tpu.memory_space<hbm>> -> memref<5125x32xbf16, #tpu.memory_space<hbm>>
      tpu.wait_indirect_dma semaphore(%arg7 : memref<!tpu.dma_semaphore, #tpu.memory_space<semaphore_mem>>) src(%dma_wait3A_1515 : memref<5125x32xbf16, #tpu.memory_space<hbm>>) dst(%arg6 : memref<128x32xbf16, #tpu.memory_space<vmem>>)
      %dma_wait3A_1516 = arith.constant 7 : i32
      %dma_wait3A_1517 = arith.constant 0 : i32
      %dma_wait3A_1518 = tpu.memref_slice %arg5[%dma_wait3A_1516, %dma_wait3A_1517] : memref<15x128xi32, #tpu.memory_space<vmem>> -> memref<1x128xi32, #tpu.memory_space<vmem>>
      %dma_wait3A_1519 = tpu.memref_squeeze %dma_wait3A_1518 : memref<1x128xi32, #tpu.memory_space<vmem>> -> memref<128xi32, #tpu.memory_space<vmem>>
      %dma_wait3A_1520 = arith.constant 0 : i32
      %dma_wait3A_1521 = arith.constant 0 : i32
      %dma_wait3A_1522 = tpu.memref_slice %arg2[%dma_wait3A_1520, %dma_wait3A_1521] : memref<5125x32xbf16, #tpu.memory_space<hbm>> -> memref<5125x32xbf16, #tpu.memory_space<hbm>>
      tpu.wait_indirect_dma semaphore(%arg7 : memref<!tpu.dma_semaphore, #tpu.memory_space<semaphore_mem>>) src(%dma_wait3A_1522 : memref<5125x32xbf16, #tpu.memory_space<hbm>>) dst(%arg6 : memref<128x32xbf16, #tpu.memory_space<vmem>>)
      %dma_wait3A_1523 = arith.constant 8 : i32
      %dma_wait3A_1524 = arith.constant 0 : i32
      %dma_wait3A_1525 = tpu.memref_slice %arg5[%dma_wait3A_1523, %dma_wait3A_1524] : memref<15x128xi32, #tpu.memory_space<vmem>> -> memref<1x128xi32, #tpu.memory_space<vmem>>
      %dma_wait3A_1526 = tpu.memref_squeeze %dma_wait3A_1525 : memref<1x128xi32, #tpu.memory_space<vmem>> -> memref<128xi32, #tpu.memory_space<vmem>>
      %dma_wait3A_1527 = arith.constant 0 : i32
      %dma_wait3A_1528 = arith.constant 0 : i32
      %dma_wait3A_1529 = tpu.memref_slice %arg2[%dma_wait3A_1527, %dma_wait3A_1528] : memref<5125x32xbf16, #tpu.memory_space<hbm>> -> memref<5125x32xbf16, #tpu.memory_space<hbm>>
      tpu.wait_indirect_dma semaphore(%arg7 : memref<!tpu.dma_semaphore, #tpu.memory_space<semaphore_mem>>) src(%dma_wait3A_1529 : memref<5125x32xbf16, #tpu.memory_space<hbm>>) dst(%arg6 : memref<128x32xbf16, #tpu.memory_space<vmem>>)
      %dma_wait3A_1530 = arith.constant 9 : i32
      %dma_wait3A_1531 = arith.constant 0 : i32
      %dma_wait3A_1532 = tpu.memref_slice %arg5[%dma_wait3A_1530, %dma_wait3A_1531] : memref<15x128xi32, #tpu.memory_space<vmem>> -> memref<1x128xi32, #tpu.memory_space<vmem>>
      %dma_wait3A_1533 = tpu.memref_squeeze %dma_wait3A_1532 : memref<1x128xi32, #tpu.memory_space<vmem>> -> memref<128xi32, #tpu.memory_space<vmem>>
      %dma_wait3A_1534 = arith.constant 0 : i32
      %dma_wait3A_1535 = arith.constant 0 : i32
      %dma_wait3A_1536 = tpu.memref_slice %arg2[%dma_wait3A_1534, %dma_wait3A_1535] : memref<5125x32xbf16, #tpu.memory_space<hbm>> -> memref<5125x32xbf16, #tpu.memory_space<hbm>>
      tpu.wait_indirect_dma semaphore(%arg7 : memref<!tpu.dma_semaphore, #tpu.memory_space<semaphore_mem>>) src(%dma_wait3A_1536 : memref<5125x32xbf16, #tpu.memory_space<hbm>>) dst(%arg6 : memref<128x32xbf16, #tpu.memory_space<vmem>>)
      %dma_wait3A_1537 = arith.constant 10 : i32
      %dma_wait3A_1538 = arith.constant 0 : i32
      %dma_wait3A_1539 = tpu.memref_slice %arg5[%dma_wait3A_1537, %dma_wait3A_1538] : memref<15x128xi32, #tpu.memory_space<vmem>> -> memref<1x128xi32, #tpu.memory_space<vmem>>
      %dma_wait3A_1540 = tpu.memref_squeeze %dma_wait3A_1539 : memref<1x128xi32, #tpu.memory_space<vmem>> -> memref<128xi32, #tpu.memory_space<vmem>>
      %dma_wait3A_1541 = arith.constant 0 : i32
      %dma_wait3A_1542 = arith.constant 0 : i32
      %dma_wait3A_1543 = tpu.memref_slice %arg2[%dma_wait3A_1541, %dma_wait3A_1542] : memref<5125x32xbf16, #tpu.memory_space<hbm>> -> memref<5125x32xbf16, #tpu.memory_space<hbm>>
      tpu.wait_indirect_dma semaphore(%arg7 : memref<!tpu.dma_semaphore, #tpu.memory_space<semaphore_mem>>) src(%dma_wait3A_1543 : memref<5125x32xbf16, #tpu.memory_space<hbm>>) dst(%arg6 : memref<128x32xbf16, #tpu.memory_space<vmem>>)
      %dma_wait3A_1544 = arith.constant 11 : i32
      %dma_wait3A_1545 = arith.constant 0 : i32
      %dma_wait3A_1546 = tpu.memref_slice %arg5[%dma_wait3A_1544, %dma_wait3A_1545] : memref<15x128xi32, #tpu.memory_space<vmem>> -> memref<1x128xi32, #tpu.memory_space<vmem>>
      %dma_wait3A_1547 = tpu.memref_squeeze %dma_wait3A_1546 : memref<1x128xi32, #tpu.memory_space<vmem>> -> memref<128xi32, #tpu.memory_space<vmem>>
      %dma_wait3A_1548 = arith.constant 0 : i32
      %dma_wait3A_1549 = arith.constant 0 : i32
      %dma_wait3A_1550 = tpu.memref_slice %arg2[%dma_wait3A_1548, %dma_wait3A_1549] : memref<5125x32xbf16, #tpu.memory_space<hbm>> -> memref<5125x32xbf16, #tpu.memory_space<hbm>>
      tpu.wait_indirect_dma semaphore(%arg7 : memref<!tpu.dma_semaphore, #tpu.memory_space<semaphore_mem>>) src(%dma_wait3A_1550 : memref<5125x32xbf16, #tpu.memory_space<hbm>>) dst(%arg6 : memref<128x32xbf16, #tpu.memory_space<vmem>>)
      %dma_wait3A_1551 = arith.constant 12 : i32
      %dma_wait3A_1552 = arith.constant 0 : i32
      %dma_wait3A_1553 = tpu.memref_slice %arg5[%dma_wait3A_1551, %dma_wait3A_1552] : memref<15x128xi32, #tpu.memory_space<vmem>> -> memref<1x128xi32, #tpu.memory_space<vmem>>
      %dma_wait3A_1554 = tpu.memref_squeeze %dma_wait3A_1553 : memref<1x128xi32, #tpu.memory_space<vmem>> -> memref<128xi32, #tpu.memory_space<vmem>>
      %dma_wait3A_1555 = arith.constant 0 : i32
      %dma_wait3A_1556 = arith.constant 0 : i32
      %dma_wait3A_1557 = tpu.memref_slice %arg2[%dma_wait3A_1555, %dma_wait3A_1556] : memref<5125x32xbf16, #tpu.memory_space<hbm>> -> memref<5125x32xbf16, #tpu.memory_space<hbm>>
      tpu.wait_indirect_dma semaphore(%arg7 : memref<!tpu.dma_semaphore, #tpu.memory_space<semaphore_mem>>) src(%dma_wait3A_1557 : memref<5125x32xbf16, #tpu.memory_space<hbm>>) dst(%arg6 : memref<128x32xbf16, #tpu.memory_space<vmem>>)
      %dma_wait3A_1558 = arith.constant 13 : i32
      %dma_wait3A_1559 = arith.constant 0 : i32
      %dma_wait3A_1560 = tpu.memref_slice %arg5[%dma_wait3A_1558, %dma_wait3A_1559] : memref<15x128xi32, #tpu.memory_space<vmem>> -> memref<1x128xi32, #tpu.memory_space<vmem>>
      %dma_wait3A_1561 = tpu.memref_squeeze %dma_wait3A_1560 : memref<1x128xi32, #tpu.memory_space<vmem>> -> memref<128xi32, #tpu.memory_space<vmem>>
      %dma_wait3A_1562 = arith.constant 0 : i32
      %dma_wait3A_1563 = arith.constant 0 : i32
      %dma_wait3A_1564 = tpu.memref_slice %arg2[%dma_wait3A_1562, %dma_wait3A_1563] : memref<5125x32xbf16, #tpu.memory_space<hbm>> -> memref<5125x32xbf16, #tpu.memory_space<hbm>>
      tpu.wait_indirect_dma semaphore(%arg7 : memref<!tpu.dma_semaphore, #tpu.memory_space<semaphore_mem>>) src(%dma_wait3A_1564 : memref<5125x32xbf16, #tpu.memory_space<hbm>>) dst(%arg6 : memref<128x32xbf16, #tpu.memory_space<vmem>>)
      %dma_wait3A_1565 = arith.constant 14 : i32
      %dma_wait3A_1566 = arith.constant 0 : i32
      %dma_wait3A_1567 = tpu.memref_slice %arg5[%dma_wait3A_1565, %dma_wait3A_1566] : memref<15x128xi32, #tpu.memory_space<vmem>> -> memref<1x128xi32, #tpu.memory_space<vmem>>
      %dma_wait3A_1568 = tpu.memref_squeeze %dma_wait3A_1567 : memref<1x128xi32, #tpu.memory_space<vmem>> -> memref<128xi32, #tpu.memory_space<vmem>>
      %dma_wait3A_1569 = arith.constant 0 : i32
      %dma_wait3A_1570 = arith.constant 0 : i32
      %dma_wait3A_1571 = tpu.memref_slice %arg2[%dma_wait3A_1569, %dma_wait3A_1570] : memref<5125x32xbf16, #tpu.memory_space<hbm>> -> memref<5125x32xbf16, #tpu.memory_space<hbm>>
      tpu.wait_indirect_dma semaphore(%arg7 : memref<!tpu.dma_semaphore, #tpu.memory_space<semaphore_mem>>) src(%dma_wait3A_1571 : memref<5125x32xbf16, #tpu.memory_space<hbm>>) dst(%arg6 : memref<128x32xbf16, #tpu.memory_space<vmem>>)
      %mul3A_1572 = arith.constant 32 : i32
      %mul3A_1573 = arith.muli %add3A, %mul3A_1572 : i32
      %mul3A_1574 = arith.constant 128 : i32
      %mul3A_1575 = arith.muli %mul3A_1573, %mul3A_1574 : i32
      %mul3A_1576 = arith.constant 128 : i32
      %mul3A_1577 = arith.muli %scan3A_7, %mul3A_1576 : i32
      %add3A_1578 = arith.addi %mul3A_1575, %mul3A_1577 : i32
      "tpu.region"() ({
        %run_scoped3A = tpu.sem_alloc : memref<!tpu.dma_semaphore, #tpu.memory_space<semaphore_mem>>
        %dma_start3A_1580 = arith.constant 0 : i32
        %dma_start3A_1581 = tpu.memref_slice %arg4[%add3A_1578, %dma_start3A_1580] : memref<131072x32xbf16, #tpu.memory_space<hbm>> -> memref<128x32xbf16, #tpu.memory_space<hbm>>
        %dma_start3A_1582 = arith.constant 0 : i32
        %dma_start3A_1583 = tpu.memref_slice %arg4[%add3A_1578, %dma_start3A_1582] : memref<131072x32xbf16, #tpu.memory_space<hbm>> -> memref<128x32xbf16, #tpu.memory_space<hbm>>
        tpu.enqueue_dma source(%arg6 : memref<128x32xbf16, #tpu.memory_space<vmem>>) target(%dma_start3A_1583 : memref<128x32xbf16, #tpu.memory_space<hbm>>) target_semaphore(%run_scoped3A : memref<!tpu.dma_semaphore, #tpu.memory_space<semaphore_mem>>)
        %dma_wait3A_1584 = arith.constant 0 : i32
        %dma_wait3A_1585 = tpu.memref_slice %arg4[%add3A_1578, %dma_wait3A_1584] : memref<131072x32xbf16, #tpu.memory_space<hbm>> -> memref<128x32xbf16, #tpu.memory_space<hbm>>
        %dma_wait3A_1586 = arith.constant 0 : i32
        %dma_wait3A_1587 = tpu.memref_slice %arg4[%add3A_1578, %dma_wait3A_1586] : memref<131072x32xbf16, #tpu.memory_space<hbm>> -> memref<128x32xbf16, #tpu.memory_space<hbm>>
        tpu.wait_dma2 semaphore(%run_scoped3A : memref<!tpu.dma_semaphore, #tpu.memory_space<semaphore_mem>>) src(%arg6 : memref<128x32xbf16, #tpu.memory_space<vmem>>) dst(%dma_wait3A_1587 : memref<128x32xbf16, #tpu.memory_space<hbm>>)
        tpu.yield
      }) : () -> ()
      %scan3A_1579 = arith.constant 0 : i32
      scf.yield %scan3A_1579 : i32
    }
    %scan3A_6 = arith.constant 32 : i32
    return
  }
}

module attributes {stable_mosaic.version = 14 : i64} {
  func.func @_tables_body(%arg0: memref<1025x32xf32, #tpu.memory_space<vmem>>, %arg1: memref<5x32x32xf32, #tpu.memory_space<vmem>>, %arg2: memref<5x1025x32xbf16, #tpu.memory_space<vmem>>) attributes {dimension_semantics = [], scalar_prefetch = 0 : i64, scratch_operands = 0 : i64, tpu.core_type = #tpu.core_type<tc>} {
    %iota3A = tpu.iota {dimensions = array<i32: 0>} : vector<1025x32xi32>
    %eq3A = arith.constant 0 : i32
    %eq3A_0 = vector.broadcast %eq3A : i32 to vector<1025x32xi32>
    %eq3A_1 = arith.cmpi eq, %iota3A, %eq3A_0 : vector<1025x32xi32>
    %get3A = arith.constant 0 : index
    %get3A_2 = arith.constant 0 : index
    %get3A_3 = vector.load %arg0[%get3A, %get3A_2] : memref<1025x32xf32, #tpu.memory_space<vmem>>, vector<1025x32xf32>
    %jit3A = arith.constant 0.000000e+00 : f32
    %broadcast_in_dim3A = vector.broadcast %jit3A : f32 to vector<1025x32xf32>
    %select_n3A = arith.select %eq3A_1, %broadcast_in_dim3A, %get3A_3 : vector<1025x32xi1>, vector<1025x32xf32>
    %get3A_4 = arith.constant 0 : index
    %get3A_5 = arith.constant 0 : index
    %get3A_6 = arith.constant 0 : index
    %get3A_7 = vector.load %arg1[%get3A_4, %get3A_5, %get3A_6] : memref<5x32x32xf32, #tpu.memory_space<vmem>>, vector<1x32x32xf32>
    %get3A_8 = vector.shape_cast %get3A_7 : vector<1x32x32xf32> to vector<32x32xf32>
    %dot_general3A = arith.constant dense<0.000000e+00> : vector<1025x32xf32>
    %dot_general3A_9 = tpu.matmul %select_n3A, %get3A_8, %dot_general3A {dimension_numbers = #tpu.dot_dimension_numbers<[1], [0], [0], [1], [0, 0, 1, 1], [], []>, transpose_lhs_hint = false} : vector<1025x32xf32>, vector<32x32xf32>, vector<1025x32xf32> -> vector<1025x32xf32>
    %convert_element_type3A = arith.truncf %dot_general3A_9 : vector<1025x32xf32> to vector<1025x32xbf16>
    %swap3A = arith.constant 0 : index
    %swap3A_10 = arith.constant 0 : index
    %swap3A_11 = arith.constant 0 : index
    %swap3A_12 = vector.load %arg2[%swap3A, %swap3A_10, %swap3A_11] : memref<5x1025x32xbf16, #tpu.memory_space<vmem>>, vector<1x1025x32xbf16>
    %swap3A_13 = vector.shape_cast %swap3A_12 : vector<1x1025x32xbf16> to vector<1025x32xbf16>
    %swap3A_14 = vector.shape_cast %convert_element_type3A : vector<1025x32xbf16> to vector<1x1025x32xbf16>
    tpu.vector_store %arg2[%swap3A, %swap3A_10, %swap3A_11], %swap3A_14 {strides = array<i32>} : memref<5x1025x32xbf16, #tpu.memory_space<vmem>>, vector<1x1025x32xbf16>,
    %get3A_15 = arith.constant 1 : index
    %get3A_16 = arith.constant 0 : index
    %get3A_17 = arith.constant 0 : index
    %get3A_18 = vector.load %arg1[%get3A_15, %get3A_16, %get3A_17] : memref<5x32x32xf32, #tpu.memory_space<vmem>>, vector<1x32x32xf32>
    %get3A_19 = vector.shape_cast %get3A_18 : vector<1x32x32xf32> to vector<32x32xf32>
    %dot_general3A_20 = arith.constant dense<0.000000e+00> : vector<1025x32xf32>
    %dot_general3A_21 = tpu.matmul %select_n3A, %get3A_19, %dot_general3A_20 {dimension_numbers = #tpu.dot_dimension_numbers<[1], [0], [0], [1], [0, 0, 1, 1], [], []>, transpose_lhs_hint = false} : vector<1025x32xf32>, vector<32x32xf32>, vector<1025x32xf32> -> vector<1025x32xf32>
    %convert_element_type3A_22 = arith.truncf %dot_general3A_21 : vector<1025x32xf32> to vector<1025x32xbf16>
    %swap3A_23 = arith.constant 1 : index
    %swap3A_24 = arith.constant 0 : index
    %swap3A_25 = arith.constant 0 : index
    %swap3A_26 = vector.load %arg2[%swap3A_23, %swap3A_24, %swap3A_25] : memref<5x1025x32xbf16, #tpu.memory_space<vmem>>, vector<1x1025x32xbf16>
    %swap3A_27 = vector.shape_cast %swap3A_26 : vector<1x1025x32xbf16> to vector<1025x32xbf16>
    %swap3A_28 = vector.shape_cast %convert_element_type3A_22 : vector<1025x32xbf16> to vector<1x1025x32xbf16>
    tpu.vector_store %arg2[%swap3A_23, %swap3A_24, %swap3A_25], %swap3A_28 {strides = array<i32>} : memref<5x1025x32xbf16, #tpu.memory_space<vmem>>, vector<1x1025x32xbf16>,
    %get3A_29 = arith.constant 2 : index
    %get3A_30 = arith.constant 0 : index
    %get3A_31 = arith.constant 0 : index
    %get3A_32 = vector.load %arg1[%get3A_29, %get3A_30, %get3A_31] : memref<5x32x32xf32, #tpu.memory_space<vmem>>, vector<1x32x32xf32>
    %get3A_33 = vector.shape_cast %get3A_32 : vector<1x32x32xf32> to vector<32x32xf32>
    %dot_general3A_34 = arith.constant dense<0.000000e+00> : vector<1025x32xf32>
    %dot_general3A_35 = tpu.matmul %select_n3A, %get3A_33, %dot_general3A_34 {dimension_numbers = #tpu.dot_dimension_numbers<[1], [0], [0], [1], [0, 0, 1, 1], [], []>, transpose_lhs_hint = false} : vector<1025x32xf32>, vector<32x32xf32>, vector<1025x32xf32> -> vector<1025x32xf32>
    %convert_element_type3A_36 = arith.truncf %dot_general3A_35 : vector<1025x32xf32> to vector<1025x32xbf16>
    %swap3A_37 = arith.constant 2 : index
    %swap3A_38 = arith.constant 0 : index
    %swap3A_39 = arith.constant 0 : index
    %swap3A_40 = vector.load %arg2[%swap3A_37, %swap3A_38, %swap3A_39] : memref<5x1025x32xbf16, #tpu.memory_space<vmem>>, vector<1x1025x32xbf16>
    %swap3A_41 = vector.shape_cast %swap3A_40 : vector<1x1025x32xbf16> to vector<1025x32xbf16>
    %swap3A_42 = vector.shape_cast %convert_element_type3A_36 : vector<1025x32xbf16> to vector<1x1025x32xbf16>
    tpu.vector_store %arg2[%swap3A_37, %swap3A_38, %swap3A_39], %swap3A_42 {strides = array<i32>} : memref<5x1025x32xbf16, #tpu.memory_space<vmem>>, vector<1x1025x32xbf16>,
    %get3A_43 = arith.constant 3 : index
    %get3A_44 = arith.constant 0 : index
    %get3A_45 = arith.constant 0 : index
    %get3A_46 = vector.load %arg1[%get3A_43, %get3A_44, %get3A_45] : memref<5x32x32xf32, #tpu.memory_space<vmem>>, vector<1x32x32xf32>
    %get3A_47 = vector.shape_cast %get3A_46 : vector<1x32x32xf32> to vector<32x32xf32>
    %dot_general3A_48 = arith.constant dense<0.000000e+00> : vector<1025x32xf32>
    %dot_general3A_49 = tpu.matmul %select_n3A, %get3A_47, %dot_general3A_48 {dimension_numbers = #tpu.dot_dimension_numbers<[1], [0], [0], [1], [0, 0, 1, 1], [], []>, transpose_lhs_hint = false} : vector<1025x32xf32>, vector<32x32xf32>, vector<1025x32xf32> -> vector<1025x32xf32>
    %convert_element_type3A_50 = arith.truncf %dot_general3A_49 : vector<1025x32xf32> to vector<1025x32xbf16>
    %swap3A_51 = arith.constant 3 : index
    %swap3A_52 = arith.constant 0 : index
    %swap3A_53 = arith.constant 0 : index
    %swap3A_54 = vector.load %arg2[%swap3A_51, %swap3A_52, %swap3A_53] : memref<5x1025x32xbf16, #tpu.memory_space<vmem>>, vector<1x1025x32xbf16>
    %swap3A_55 = vector.shape_cast %swap3A_54 : vector<1x1025x32xbf16> to vector<1025x32xbf16>
    %swap3A_56 = vector.shape_cast %convert_element_type3A_50 : vector<1025x32xbf16> to vector<1x1025x32xbf16>
    tpu.vector_store %arg2[%swap3A_51, %swap3A_52, %swap3A_53], %swap3A_56 {strides = array<i32>} : memref<5x1025x32xbf16, #tpu.memory_space<vmem>>, vector<1x1025x32xbf16>,
    %get3A_57 = arith.constant 4 : index
    %get3A_58 = arith.constant 0 : index
    %get3A_59 = arith.constant 0 : index
    %get3A_60 = vector.load %arg1[%get3A_57, %get3A_58, %get3A_59] : memref<5x32x32xf32, #tpu.memory_space<vmem>>, vector<1x32x32xf32>
    %get3A_61 = vector.shape_cast %get3A_60 : vector<1x32x32xf32> to vector<32x32xf32>
    %dot_general3A_62 = arith.constant dense<0.000000e+00> : vector<1025x32xf32>
    %dot_general3A_63 = tpu.matmul %select_n3A, %get3A_61, %dot_general3A_62 {dimension_numbers = #tpu.dot_dimension_numbers<[1], [0], [0], [1], [0, 0, 1, 1], [], []>, transpose_lhs_hint = false} : vector<1025x32xf32>, vector<32x32xf32>, vector<1025x32xf32> -> vector<1025x32xf32>
    %convert_element_type3A_64 = arith.truncf %dot_general3A_63 : vector<1025x32xf32> to vector<1025x32xbf16>
    %swap3A_65 = arith.constant 4 : index
    %swap3A_66 = arith.constant 0 : index
    %swap3A_67 = arith.constant 0 : index
    %swap3A_68 = vector.load %arg2[%swap3A_65, %swap3A_66, %swap3A_67] : memref<5x1025x32xbf16, #tpu.memory_space<vmem>>, vector<1x1025x32xbf16>
    %swap3A_69 = vector.shape_cast %swap3A_68 : vector<1x1025x32xbf16> to vector<1025x32xbf16>
    %swap3A_70 = vector.shape_cast %convert_element_type3A_64 : vector<1025x32xbf16> to vector<1x1025x32xbf16>
    tpu.vector_store %arg2[%swap3A_65, %swap3A_66, %swap3A_67], %swap3A_70 {strides = array<i32>} : memref<5x1025x32xbf16, #tpu.memory_space<vmem>>, vector<1x1025x32xbf16>,
    return
  }
}

module attributes {stable_mosaic.version = 14 : i64} {
  func.func @_finish_body(%arg0: i32, %arg1: i32, %arg2: memref<1x1x2048xf32, #tpu.memory_space<vmem>>, %arg3: memref<1x1x2048xi32, #tpu.memory_space<vmem>>, %arg4: memref<1x2048x32xbf16, #tpu.memory_space<vmem>>, %arg5: memref<1x32x2048xf32, #tpu.memory_space<vmem>>) attributes {dimension_semantics = [#tpu.dimension_semantics<arbitrary>, #tpu.dimension_semantics<arbitrary>], iteration_bounds = array<i64: 8, 8>, scalar_prefetch = 0 : i64, scratch_operands = 0 : i64, tpu.core_type = #tpu.core_type<tc>, window_params = [{transform_indices = @transform_0, window_bounds = array<i64: 1, 1, 2048>}, {transform_indices = @transform_1, window_bounds = array<i64: 1, 1, 2048>}, {transform_indices = @transform_2, window_bounds = array<i64: 1, 2048, 32>}, {transform_indices = @transform_3, window_bounds = array<i64: 1, 32, 2048>}]} {
    %get3A = arith.constant 0 : index
    %get3A_0 = arith.constant 0 : index
    %get3A_1 = arith.constant 0 : index
    %get3A_2 = vector.load %arg3[%get3A, %get3A_0, %get3A_1] : memref<1x1x2048xi32, #tpu.memory_space<vmem>>, vector<1x1x2048xi32>
    %get3A_3 = vector.shape_cast %get3A_2 : vector<1x1x2048xi32> to vector<1x2048xi32>
    %eq3A = arith.constant 0 : i32
    %eq3A_4 = vector.broadcast %eq3A : i32 to vector<1x2048xi32>
    %eq3A_5 = arith.cmpi eq, %get3A_3, %eq3A_4 : vector<1x2048xi32>
    %jit3A = arith.constant 1 : i32
    %broadcast_in_dim3A = vector.broadcast %jit3A : i32 to vector<1x2048xi32>
    %select_n3A = arith.select %eq3A_5, %broadcast_in_dim3A, %get3A_3 : vector<1x2048xi1>, vector<1x2048xi32>
    %gt3A = arith.constant 1 : i32
    %gt3A_6 = vector.broadcast %gt3A : i32 to vector<1x2048xi32>
    %gt3A_7 = arith.cmpi sgt, %select_n3A, %gt3A_6 : vector<1x2048xi32>
    %sub3A = arith.constant 1 : i32
    %sub3A_8 = vector.broadcast %sub3A : i32 to vector<1x2048xi32>
    %sub3A_9 = arith.subi %select_n3A, %sub3A_8 : vector<1x2048xi32>
    %select_n3A_10 = arith.select %gt3A_7, %sub3A_9, %select_n3A : vector<1x2048xi1>, vector<1x2048xi32>
    %jit3A_11 = arith.constant 0 : i32
    %jit3A_12 = arith.constant 5 : i32
    %max3A = vector.broadcast %jit3A_11 : i32 to vector<1x2048xi32>
    %max3A_13 = arith.maxsi %max3A, %select_n3A_10 : vector<1x2048xi32>
    %min3A = vector.broadcast %jit3A_12 : i32 to vector<1x2048xi32>
    %min3A_14 = arith.minsi %min3A, %max3A_13 : vector<1x2048xi32>
    %convert_element_type3A = arith.sitofp %min3A_14 : vector<1x2048xi32> to vector<1x2048xf32>
    %mul3A = arith.constant 3.000000e+00 : f32
    %mul3A_15 = vector.broadcast %mul3A : f32 to vector<1x2048xf32>
    %mul3A_16 = arith.mulf %mul3A_15, %convert_element_type3A : vector<1x2048xf32>
    %div3A = arith.constant 1.000000e+00 : f32
    %div3A_17 = vector.broadcast %div3A : f32 to vector<1x2048xf32>
    %div3A_18 = arith.divf %div3A_17, %mul3A_16 : vector<1x2048xf32>
    %iota3A = tpu.iota {dimensions = array<i32: 0>} : vector<32x32xi32>
    %iota3A_19 = tpu.iota {dimensions = array<i32: 1>} : vector<32x32xi32>
    %eq3A_20 = arith.cmpi eq, %iota3A, %iota3A_19 : vector<32x32xi32>
    %convert_element_type3A_21 = arith.extui %eq3A_20 : vector<32x32xi1> to vector<32x32xi32>
    %convert_element_type3A_22 = arith.sitofp %convert_element_type3A_21 : vector<32x32xi32> to vector<32x32xf32>
    %convert_element_type3A_23 = arith.truncf %convert_element_type3A_22 : vector<32x32xf32> to vector<32x32xbf16>
    %get3A_24 = arith.constant 0 : index
    %get3A_25 = arith.constant 0 : index
    %get3A_26 = arith.constant 0 : index
    %get3A_27 = vector.load %arg4[%get3A_24, %get3A_25, %get3A_26] : memref<1x2048x32xbf16, #tpu.memory_space<vmem>>, vector<1x2048x32xbf16>
    %get3A_28 = vector.shape_cast %get3A_27 : vector<1x2048x32xbf16> to vector<2048x32xbf16>
    %dot_general3A = arith.constant dense<0.000000e+00> : vector<32x2048xf32>
    %dot_general3A_29 = tpu.matmul %convert_element_type3A_23, %get3A_28, %dot_general3A {dimension_numbers = #tpu.dot_dimension_numbers<[1], [1], [0], [0], [0, 0, 1, 0], [], []>, transpose_lhs_hint = false} : vector<32x32xbf16>, vector<2048x32xbf16>, vector<32x2048xf32> -> vector<32x2048xf32>
    %get3A_30 = arith.constant 0 : index
    %get3A_31 = arith.constant 0 : index
    %get3A_32 = arith.constant 0 : index
    %get3A_33 = vector.load %arg2[%get3A_30, %get3A_31, %get3A_32] : memref<1x1x2048xf32, #tpu.memory_space<vmem>>, vector<1x1x2048xf32>
    %get3A_34 = vector.shape_cast %get3A_33 : vector<1x1x2048xf32> to vector<1x2048xf32>
    %mul3A_35 = vector.broadcast %div3A_18 : vector<1x2048xf32> to vector<32x2048xf32>
    %mul3A_36 = arith.mulf %dot_general3A_29, %mul3A_35 : vector<32x2048xf32>
    %add3A = vector.broadcast %get3A_34 : vector<1x2048xf32> to vector<32x2048xf32>
    %add3A_37 = arith.addf %add3A, %mul3A_36 : vector<32x2048xf32>
    %swap3A = arith.constant 0 : index
    %swap3A_38 = arith.constant 0 : index
    %swap3A_39 = arith.constant 0 : index
    %swap3A_40 = vector.load %arg5[%swap3A, %swap3A_38, %swap3A_39] : memref<1x32x2048xf32, #tpu.memory_space<vmem>>, vector<1x32x2048xf32>
    %swap3A_41 = vector.shape_cast %swap3A_40 : vector<1x32x2048xf32> to vector<32x2048xf32>
    %swap3A_42 = vector.shape_cast %add3A_37 : vector<32x2048xf32> to vector<1x32x2048xf32>
    tpu.vector_store %arg5[%swap3A, %swap3A_38, %swap3A_39], %swap3A_42 {strides = array<i32>} : memref<1x32x2048xf32, #tpu.memory_space<vmem>>, vector<1x32x2048xf32>,
    return
  }
  func.func @transform_0(%arg0: i32, %arg1: i32) -> (i32, i32, i32) {
    %mul3A = arith.constant 8 : i32
    %mul3A_0 = arith.muli %arg0, %mul3A : i32
    %add3A = arith.addi %mul3A_0, %arg1 : i32
    %c0_i32 = arith.constant 0 : i32
    %c0_i32_1 = arith.constant 0 : i32
    %c0_i32_2 = arith.constant 0 : i32
    return %add3A, %c0_i32, %c0_i32_1 : i32, i32, i32
  }
  func.func @transform_1(%arg0: i32, %arg1: i32) -> (i32, i32, i32) {
    %mul3A = arith.constant 8 : i32
    %mul3A_0 = arith.muli %arg0, %mul3A : i32
    %add3A = arith.addi %mul3A_0, %arg1 : i32
    %c0_i32 = arith.constant 0 : i32
    %c0_i32_1 = arith.constant 0 : i32
    %c0_i32_2 = arith.constant 0 : i32
    return %add3A, %c0_i32, %c0_i32_1 : i32, i32, i32
  }
  func.func @transform_2(%arg0: i32, %arg1: i32) -> (i32, i32, i32) {
    %mul3A = arith.constant 8 : i32
    %mul3A_0 = arith.muli %arg0, %mul3A : i32
    %add3A = arith.addi %mul3A_0, %arg1 : i32
    %c0_i32 = arith.constant 0 : i32
    %c0_i32_1 = arith.constant 0 : i32
    %c0_i32_2 = arith.constant 0 : i32
    return %add3A, %c0_i32, %c0_i32_1 : i32, i32, i32
  }
  func.func @transform_3(%arg0: i32, %arg1: i32) -> (i32, i32, i32) {
    %c0_i32 = arith.constant 0 : i32
    %c0_i32_0 = arith.constant 0 : i32
    return %arg0, %c0_i32, %arg1 : i32, i32, i32
  }
}

</mosaic_0001>

<sc_bundles>
// kernel: kernel.5.cloned.1.call-start
scs
__scs_entry_jumppad:
0x0: {  	(pc) =	sbr.rel $0x88, $3  }
0x1: {  	(tag) =	ssettag $0x0;
	lr =	simm.s32 $0x1  }
0x2: {  	[smem:$0x3F9C] =	sst lr;
	_ =	strace $0xD0000000  }
0x3: {  	_ = 	snop  }
0x4: {  	_ = 	snop  }
0x5: {  	_ = 	snop  }
0x6: {  	_ = 	snop  }
0x7: {  	_ = 	snop  }
__scs_overlays_trampoline_lowered:
0x8: {  	[smem:$0x3FAB] =	sst s0  }
0x9: {  	[smem:$0x3FAC] =	sst s1  }
0xa: {  	[smem:$0x3FAD] =	sst s2  }
0xb: {  	[smem:$0x3FAE] =	sst s3  }
0xc: {  	[smem:$0x3FAF] =	sst s4  }
0xd: {  	[smem:$0x3FB0] =	sst s5  }
0xe: {  	[smem:$0x3FB1] =	sst s6  }
0xf: {  	[smem:$0x3FB2] =	sst s7  }
0x10: {  	[smem:$0x3FB3] =	sst s8  }
0x11: {  	[smem:$0x3FB4] =	sst s9;
	s0 =	simm.s32 @!p0 $0x0  }
0x12: {  	s1 =	sld [smem:$0x3F9A];
	s0 =	simm.s32 @p0 $0x1  }
0x13: {  	[smem:$0x3FB5] =	sst s0;
	s0 =	simm.s32 @!p1 $0x0  }
0x14: {  	s2 =	sld [smem:$0x3F99];
	s0 =	simm.s32 @p1 $0x1  }
0x15: {  	[smem:$0x3FB6] =	sst s0;
	s0 =	simm.s32 @!p2 $0x0  }
0x16: {  	s3 =	sld [smem:$0x3FDB];
	s0 =	simm.s32 @p2 $0x1  }
0x17: {  	s4 =	simm.s32 $0x1BF5;
	[smem:$0x3FB8] =	sst s0  }
0x18: {  	s0 =	sld [smem:$0x3F9B];
	_ =	swait.ge [sflag:s4], $0x0  }
0x19: {  	s7 =	sld [smem:$0x3F9C]  }
0x1a: {  	s8 =	sadd.s32 $0xFFFFE003, lr  }
0x1b: {  	s9 =	sadd.s32 $0xFFFFFEF7, lr;
	s5 =	simm.s32 $0xFFFFFFFF;
	p2 =	slt.u32 s8, $0xFFFFF086  }
0x1c: {  	p1 =	slt.u32 s9, $0xF7A;
	s5 =	simm.s32 @!p2 $0x0  }
0x1d: {  	s5 =	simm.s32 @p1 $0x1;
	p0 =	seq.s32 s7, s2  }
0x1e: {  	s7 =	smul.u32 @!p0 $0xF7A, s2;
	p2 =	seq.s32 @!p0 s5, $0x0  }
0x1f: {  	s9 =	smul.u32 $0xF7A, s1;
	s8 =	simm.s32 @!p0 $0x1BF5;
	p2 =	por !p2, p0  }
0x20: {  	[sflag:s8] =	ssyncset.s32 @!p0 $0xFFFFF086;
	s6 =	sadd.s32 @!p0 s3, s7;
	s7 =	simm.s32 @!p0 $0x108  }
0x21: {  	s3 =	sadd.s32 s3, s9;
	s6 =	sadd.s32 @!p0 $0x88, s6;
	s7 =	simm.s32 @p2 $0x1082  }
0x22: {  	[simem:s7], [sflag:s8] =	dma.local @!p0 [hbm:s6], $0xF7A  }
0x23: {  	s9 =	sor.u32 $0xD0000000, s2;
	s6 =	simm.s32 $0x108;
	_ =	swait.ge @!p0 [sflag:s8], $0x0  }
0x24: {  	s3 =	sadd.s32 $0x88, s3;
	s6 =	simm.s32 @!p1 $0x1082;
	[sflag:s4] =	ssyncset.s32 $0xFFFFF086  }
0x25: {  	[simem:s6], [sflag:s4] =	dma.local [hbm:s3], $0xF7A  }
0x26: {  	[smem:$0x3F9C] =	sst s1;
	(tag) =	ssettag s2;
	_ =	strace s9  }
0x27: {  	s1 =	sld [smem:$0x3FAC]  }
0x28: {  	s2 =	sld [smem:$0x3FAD]  }
0x29: {  	s4 =	sld [smem:$0x3FAF]  }
0x2a: {  	p0 =	seq.s32 s5, $0x0;
	s5 =	sld [smem:$0x3FB0]  }
0x2b: {  	s6 =	sld [smem:$0x3FB1]  }
0x2c: {  	s7 =	sld [smem:$0x3FB2]  }
0x2d: {  	s3 =	simm.s32 $0x108;
	s8 =	sld [smem:$0x3FB3]  }
0x2e: {  	s3 =	simm.s32 @!p0 $0x1082;
	s9 =	sld [smem:$0x3FB4]  }
0x2f: {  	lr =	sadd.s32 s0, s3;
	s0 =	sld [smem:$0x3FAB]  }
0x30: {  	s3 =	sld [smem:$0x3FAE]  }
0x31: {  	[smem:$0x3FB7] =	sst s10  }
0x32: {  	s10 =	sld [smem:$0x3FB5];
	_ =	sdelay $0x3  }
0x33: {  	p0 =	seq.s32 s10, $0x1;
	s10 =	sld [smem:$0x3FB7];
	_ =	sdelay $0x3  }
0x34: {  	[smem:$0x3FB7] =	sst s10  }
0x35: {  	s10 =	sld [smem:$0x3FB6];
	_ =	sdelay $0x3  }
0x36: {  	p1 =	seq.s32 s10, $0x1;
	s10 =	sld [smem:$0x3FB7];
	_ =	sdelay $0x3  }
0x37: {  	[smem:$0x3FB7] =	sst s10  }
0x38: {  	s10 =	sld [smem:$0x3FB8]  }
0x39: {  	_ = 	snop;
	(pc) =	sbr.ind lr, $3  }
0x3a: {  	_ = 	snop  }
0x3b: {  	_ = 	snop  }
0x3c: {  	p2 =	seq.s32 s10, $0x1;
	s10 =	sld [smem:$0x3FB7]  }
0x3d: {  	_ =	shalt  }
0x3e: {  	_ =	shalt  }
0x3f: {  	_ =	shalt  }
0x40: {  	_ =	shalt  }
0x41: {  	_ =	shalt  }
0x42: {  	_ =	shalt  }
0x43: {  	_ =	shalt  }
0x44: {  	_ =	shalt  }
0x45: {  	_ =	shalt  }
0x46: {  	_ =	shalt  }
0x47: {  	_ =	shalt  }
0x48: {  	_ =	shalt  }
0x49: {  	_ =	shalt  }
0x4a: {  	_ =	shalt  }
0x4b: {  	_ =	shalt  }
0x4c: {  	_ =	shalt  }
0x4d: {  	_ =	shalt  }
0x4e: {  	_ =	shalt  }
0x4f: {  	_ =	shalt  }
0x50: {  	_ =	shalt  }
0x51: {  	_ =	shalt  }
0x52: {  	_ =	shalt  }
0x53: {  	_ =	shalt  }
0x54: {  	_ =	shalt  }
0x55: {  	_ =	shalt  }
0x56: {  	_ =	shalt  }
0x57: {  	_ =	shalt  }
0x58: {  	_ =	shalt  }
0x59: {  	_ =	shalt  }
0x5a: {  	_ =	shalt  }
0x5b: {  	_ =	shalt  }
0x5c: {  	_ =	shalt  }
0x5d: {  	_ =	shalt  }
0x5e: {  	_ =	shalt  }
0x5f: {  	_ =	shalt  }
0x60: {  	_ =	shalt  }
0x61: {  	_ =	shalt  }
0x62: {  	_ =	shalt  }
0x63: {  	_ =	shalt  }
0x64: {  	_ =	shalt  }
0x65: {  	_ =	shalt  }
0x66: {  	_ =	shalt  }
0x67: {  	_ =	shalt  }
0x68: {  	_ =	shalt  }
0x69: {  	_ =	shalt  }
0x6a: {  	_ =	shalt  }
0x6b: {  	_ =	shalt  }
0x6c: {  	_ =	shalt  }
0x6d: {  	_ =	shalt  }
0x6e: {  	_ =	shalt  }
0x6f: {  	_ =	shalt  }
0x70: {  	_ =	shalt  }
0x71: {  	_ =	shalt  }
0x72: {  	_ =	shalt  }
0x73: {  	_ =	shalt  }
0x74: {  	_ =	shalt  }
0x75: {  	_ =	shalt  }
0x76: {  	_ =	shalt  }
0x77: {  	_ =	shalt  }
0x78: {  	_ =	shalt  }
0x79: {  	_ =	shalt  }
0x7a: {  	_ =	shalt  }
0x7b: {  	_ =	shalt  }
0x7c: {  	_ =	shalt  }
0x7d: {  	_ =	shalt  }
0x7e: {  	_ =	shalt  }
0x7f: {  	_ =	shalt  }
0x80: {  	_ =	shalt  }
0x81: {  	_ =	shalt  }
0x82: {  	_ =	shalt  }
0x83: {  	_ =	shalt  }
0x84: {  	_ =	shalt  }
0x85: {  	_ =	shalt  }
0x86: {  	_ =	shalt  }
0x87: {  	_ =	shalt  }
.Lfunc_end0:
.L_simem_size_0:
called_computation_lowered:
.L_overlay_start_0:
0x88: {  	s2 =	sld [smem:$0x3FD9]  }
0x89: {  	s3 =	sld [smem:$0x3FFE];
	_ =	sdelay $0x1  }
0x8a: {  	s1 =	srdreg.scid  }
0x8b: {  	s0 =	sand.u32 $0x1, s1  }
0x8c: {  	s17 =	sshll.u32 s0, $0xA;
	s2 =	sadd.s32 s3, s2  }
0x8d: {  	s2 =	sadd.s32 s2, s17  }
0x8e: {  	[smem:$0x3FC3] =	sst s2  }
0x8f: {  	_ = 	snop  }
0x90: {  	s2 =	sld [smem:$0x3FD0];
	(tm) =	ssettm $0x1  }
0x91: {  	s18 =	sld [smem:$0x3FFB];
	_ =	sdelay $0x3  }
0x92: {  	_ =	strace s18  }
0x93: {  	s3 =	sld [smem:$0x3FFC];
	_ =	sdelay $0x3  }
0x94: {  	_ =	strace s3  }
0x95: {  	s3 =	sld [smem:$0x3FFD];
	_ =	sdelay $0x3  }
0x96: {  	_ =	strace s3  }
0x97: {  	_ =	strace $0x8FFFFFFF  }
0x98: {  	s19 =	sld [smem:$0x3FDB];
	_ =	sdelay $0x1  }
0x99: {  	s4 =	simm.s32 $_scs_section_size  }
0x9a: {  	s5 =	simm.s32 $_size__tile_overlayer_lowered;
	s6 =	simm.s32 $_tile_overlayer_lowered  }
0x9b: {  	s22 =	simm.s32 $0x1BFF;
	s21 =	sshll.u32 s6, $0x1;
	s3 =	sadd.s32 s4, s19  }
0x9c: {  	s7 =	simm.s32 $0x0;
	s20 =	sshll.u32 s5, $0x1;
	s5 =	sadd.s32 s21, s3  }
0x9d: {  	[timem:s7], [sflag:s22] =	dma.local [hbm:s5], s20  }
0x9e: {  	_ =	swait.ge [sflag:s22], s20  }
0x9f: {  	s4 =	ssub.s32 $0x0, s20;
	[sflag:s22] =	ssyncset.done $0x0  }
0xa0: {  	[sflag:s22] =	ssyncadd.s32 s4;
	_ =	sdelay $0x1  }
0xa1: {  	s23 =	simm.s32 $0x1B8B  }
0xa2: {  	_ =	swait.ge [sflag:s23], $0x1  }
0xa3: {  	[sflag:s23] =	ssyncset.done $0x0  }
0xa4: {  	s25 =	simm.s32 $0x1B8E;
	s24 =	sld [smem:$0x3FFE];
	[sflag:s23] =	ssyncadd.s32 $0xFFFFFFFF  }
0xa5: {  	s26 =	simm.s32 $execute0_lowered;
	[smem:$0x3FD2] =	sst s25  }
0xa6: {  	s5 =	sshll.u32 s26, $0x1;
	_ =	strace $0x80000046;
	[dreg:$0x1] =	wrdreg $0xFFFFFFFF  }
0xa7: {  	s28 =	simm.s32 $_size_execute0_lowered;
	s3 =	sadd.s32 s3, s5;
	[dreg:$0x0] =	wrdreg $0x0  }
0xa8: {  	s5 =	sshll.u32 s28, $0x1;
	[dreg:$0x2] =	wrdreg s3  }
0xa9: {  	[dreg:$0x3] =	wrdreg s5  }
0xaa: {  	[dreg:$0x4] =	wrdreg $0xC0  }
0xab: {  	_ =	task [dreg:s7], $0x5FFFF  }
0xac: {  	[dreg:$0x1] =	wrdreg $0xFFFFFFFF  }
0xad: {  	[dreg:$0x0] =	wrdreg $0x60  }
0xae: {  	[dreg:$0x2] =	wrdreg s24  }
0xaf: {  	[dreg:$0x3] =	wrdreg s2  }
0xb0: {  	[dreg:$0x4] =	wrdreg $0x9  }
0xb1: {  	_ =	task.clear_ibuf [dreg:s7], $0x5FFFF;
	_ =	strace $0x90000046  }
0xb2: {  	s29 =	simm.s32 $0x9;
	_ =	strace $0x80000048  }
0xb3: {  	_ =	swait.ge [sflag:s29], $0x1  }
0xb4: {  	[sflag:s29] =	ssyncadd.s32 $0xFFFFFFFF  }
0xb5: {  	_ =	strace $0x90000048  }
0xb6: {  	_ =	sfence  }
0xb7: {  	s30 =	sld [smem:$0x0];
	_ =	sdelay $0x2  }
0xb8: {  	s31 =	sshll.u32 s1, $0xD;
	s1 =	sshrl.u32 s1, $0x2  }
0xb9: {  	s3 =	sand.u32 $0x4000, s31;
	s1 =	sadd.s32 s1, s30  }
0xba: {  	s0 =	sor.u32 s3, s0;
	s1 =	sshll.u32 s1, $0x11  }
0xbb: {  	s0 =	sor.u32 s1, s0  }
0xbc: {  	s0 =	sadd.s32 $0x8F2B, s0  }
0xbd: {  	[sflag:s0] =	ssyncadd.remote.s32 $0x1  }
0xbe: {  	_ =	sfence.sel $0xFFFF  }
0xbf: {  	[dreg:$0x0] =	wrdreg $0xFFFFFFFF;
	(pc) =	sbr.abs _section_cstart, $3  }
0xc0: {  	[dreg:$0x1] =	wrdreg $0xFFFFFFFF  }
0xc1: {  	_ =	task.clear_ibuf [dreg:s7], $0x2FFFF;
	_ =	strace $0x9FFFFFFF  }
0xc2: {  	(tm) =	ssettm $0x7FFFFFFF  }
0xc3: {  	_ =	shalt  }
tec
execute0_lowered:
.L_overlay_start_1:
0x0: {  	(tag) =	ssettag $0x1  }
0x1: {  	s4 =	rddreg [dreg:$0x0]  }
0x2: {  	s6 =	rddreg [dreg:$0x1]  }
0x3: {  	s0 =	rddreg [dreg:$0x2];
	s2 =	simm.s32 $0x0;
	s3 =	srdreg.scid  }
0x4: {  	s1 =	stileid.u32;
	s10 =	simm.s32 $0x780;
	s11 =	simm.s32 $0x100  }
0x5: {  	s12 =	simm.s32 $0x180;
	s13 =	simm.s32 $0x200;
	s14 =	simm.s32 $0x280  }
0x6: {  	s15 =	simm.s32 $0x300;
	s16 =	simm.s32 $0x380;
	s17 =	simm.s32 $0x400  }
0x7: {  	s18 =	simm.s32 $0x480;
	s19 =	simm.s32 $0x500;
	s20 =	simm.s32 $0x580  }
0x8: {  	s21 =	simm.s32 $0x600;
	s22 =	simm.s32 $0x680;
	s23 =	simm.s32 $0x700  }
0x9: {  	s24 =	simm.s32 $0x1;
	s25 =	simm.s32 $0x0;
	[smem:$0x7FF] =	sst s2  }
0xa: {  	s5 =	sand.u32 $0x1, s3;
	s8 =	sshll.u32 s1, $0x1;
	s3 =	sadd.s32 $0x400, s4  }
0xb: {  	s4 =	sadd.s32 $0x2E00, s4;
	s7 =	ssub.s32 $0x2, s5;
	s5 =	sor.u32 s5, s8  }
0xc: {  	_ =	strace $0x80000047;
	s9 =	sshrl.u32 s7, $0x1;
	s8 =	sshll.u32 s5, $0xD  }
0xd: {  	s5 =	sshll.u32 s5, $0x5;
	s7 =	ssub.s32 s7, s9;
	s6 =	sadd.s32 s6, s8  }
0xe: {  	v0 =	vimm.bf16 $0.0e+00;
	s8 =	simm.s32 $0x2;
	s9 =	simm.s32 $0x80;
	s7 =	smax.u32 s7, $0x1  }
.LBB2_1:
0xf: {  	s26 =	simm.s32 $0x0  }
.LBB2_2:
0x10: {  	s28 =	sadd.s32 s5, s26  }
0x11: {  	s28 =	smul.u32 $0xF0, s28;
	_ =	sdelay $0x1  }
0x12: {  	s29 =	simm.s32 $0x0;
	s28 =	sadd.s32 s4, s28  }
0x13: {  	[tilespmem:s29], [sflag:$0x2] =	stream.linear.gather [hbm4b:s28+s29], $0x780, $0x38;
	[tilespmem:$0xF80] =	vst v63  }
0x14: {  	_ =	swait.ge [sflag:s8], $0x780  }
0x15: {  	[sflag:s8] =	ssyncset.done $0x0  }
0x16: {  	[sflag:s8] =	ssyncadd.s32 $0xFFFFF880  }
0x17: {  	v1 =	vld [tilespmem:$0x180]  }
0x18: {  	v2 =	vld [tilespmem:$0x190]  }
0x19: {  	v3 =	vld [tilespmem:$0x1A0]  }
0x1a: {  	v4 =	vld [tilespmem:$0x1B0]  }
0x1b: {  	v5 =	vld [tilespmem:$0x1C0]  }
0x1c: {  	v6 =	vld [tilespmem:$0x1D0];
	v1 =	vadd.s32 $0x401, v1  }
0x1d: {  	[tilespmem:$0x180] =	vst v1;
	v1 =	vadd.s32 $0x401, v2;
	v2 =	vld [tilespmem:$0x1E0]  }
0x1e: {  	[tilespmem:$0x190] =	vst v1;
	v1 =	vadd.s32 $0x401, v3;
	v3 =	vld [tilespmem:$0x1F0]  }
0x1f: {  	v10 =	vld [tilespmem:$0x200];
	[tilespmem:$0x1A0] =	vst v1;
	v1 =	vadd.s32 $0x401, v4  }
0x20: {  	v11 =	vld [tilespmem:$0x210];
	[tilespmem:$0x1B0] =	vst v1;
	v1 =	vadd.s32 $0x401, v5  }
0x21: {  	v12 =	vld [tilespmem:$0x220];
	[tilespmem:$0x1C0] =	vst v1;
	v1 =	vadd.s32 $0x401, v6  }
0x22: {  	[tilespmem:$0x1D0] =	vst v1;
	v1 =	vadd.s32 $0x401, v2;
	v2 =	vld [tilespmem:$0x230]  }
0x23: {  	[tilespmem:$0x1E0] =	vst v1;
	v1 =	vadd.s32 $0x401, v3;
	v3 =	vld [tilespmem:$0x240]  }
0x24: {  	v13 =	vld [tilespmem:$0x250];
	[tilespmem:$0x1F0] =	vst v1;
	v1 =	vadd.s32 $0x401, v10  }
0x25: {  	v14 =	vld [tilespmem:$0x260];
	[tilespmem:$0x200] =	vst v1;
	v1 =	vadd.s32 $0x401, v11  }
0x26: {  	v15 =	vld [tilespmem:$0x270];
	[tilespmem:$0x210] =	vst v1;
	v1 =	vadd.s32 $0x401, v12  }
0x27: {  	[tilespmem:$0x220] =	vst v1;
	v1 =	vadd.s32 $0x401, v2;
	v2 =	vld [tilespmem:$0x280]  }
0x28: {  	[tilespmem:$0x230] =	vst v1;
	v1 =	vadd.s32 $0x401, v3;
	v3 =	vld [tilespmem:$0x290]  }
0x29: {  	v16 =	vld [tilespmem:$0x2A0];
	[tilespmem:$0x240] =	vst v1;
	v1 =	vadd.s32 $0x401, v13  }
0x2a: {  	v17 =	vld [tilespmem:$0x2B0];
	[tilespmem:$0x250] =	vst v1;
	v1 =	vadd.s32 $0x401, v14  }
0x2b: {  	v18 =	vld [tilespmem:$0x2C0];
	[tilespmem:$0x260] =	vst v1;
	v1 =	vadd.s32 $0x401, v15  }
0x2c: {  	[tilespmem:$0x270] =	vst v1;
	v1 =	vadd.s32 $0x401, v2;
	v2 =	vld [tilespmem:$0x2D0]  }
0x2d: {  	[tilespmem:$0x280] =	vst v1;
	v1 =	vadd.s32 $0x401, v3;
	v3 =	vld [tilespmem:$0x2E0]  }
0x2e: {  	v19 =	vld [tilespmem:$0x2F0];
	[tilespmem:$0x290] =	vst v1;
	v1 =	vadd.s32 $0x401, v16  }
0x2f: {  	v20 =	vld [tilespmem:$0x300];
	[tilespmem:$0x2A0] =	vst v1;
	v1 =	vadd.s32 $0x401, v17  }
0x30: {  	v21 =	vld [tilespmem:$0x310];
	[tilespmem:$0x2B0] =	vst v1;
	v1 =	vadd.s32 $0x401, v18  }
0x31: {  	[tilespmem:$0x2C0] =	vst v1;
	v1 =	vadd.s32 $0x401, v2;
	v2 =	vld [tilespmem:$0x320]  }
0x32: {  	[tilespmem:$0x2D0] =	vst v1;
	v1 =	vadd.s32 $0x401, v3;
	v3 =	vld [tilespmem:$0x330]  }
0x33: {  	v22 =	vld [tilespmem:$0x340];
	[tilespmem:$0x2E0] =	vst v1;
	v1 =	vadd.s32 $0x401, v19  }
0x34: {  	v23 =	vld [tilespmem:$0x350];
	[tilespmem:$0x2F0] =	vst v1;
	v1 =	vadd.s32 $0x802, v20  }
0x35: {  	v24 =	vld [tilespmem:$0x360];
	[tilespmem:$0x300] =	vst v1;
	v1 =	vadd.s32 $0x802, v21  }
0x36: {  	[tilespmem:$0x310] =	vst v1;
	v1 =	vadd.s32 $0x802, v2;
	v2 =	vld [tilespmem:$0x370]  }
0x37: {  	[tilespmem:$0x320] =	vst v1;
	v1 =	vadd.s32 $0x802, v3;
	v3 =	vld [tilespmem:$0x380]  }
0x38: {  	v25 =	vld [tilespmem:$0x390];
	[tilespmem:$0x330] =	vst v1;
	v1 =	vadd.s32 $0x802, v22  }
0x39: {  	v26 =	vld [tilespmem:$0x3A0];
	[tilespmem:$0x340] =	vst v1;
	v1 =	vadd.s32 $0x802, v23  }
0x3a: {  	v27 =	vld [tilespmem:$0x3B0];
	[tilespmem:$0x350] =	vst v1;
	v1 =	vadd.s32 $0x802, v24  }
0x3b: {  	[tilespmem:$0x360] =	vst v1;
	v1 =	vadd.s32 $0x802, v2;
	v2 =	vld [tilespmem:$0x3C0]  }
0x3c: {  	[tilespmem:$0x370] =	vst v1;
	v1 =	vadd.s32 $0x802, v3;
	v3 =	vld [tilespmem:$0x3D0]  }
0x3d: {  	v28 =	vld [tilespmem:$0x3E0];
	[tilespmem:$0x380] =	vst v1;
	v1 =	vadd.s32 $0x802, v25  }
0x3e: {  	v29 =	vld [tilespmem:$0x3F0];
	[tilespmem:$0x390] =	vst v1;
	v1 =	vadd.s32 $0x802, v26  }
0x3f: {  	v30 =	vld [tilespmem:$0x400];
	[tilespmem:$0x3A0] =	vst v1;
	v1 =	vadd.s32 $0x802, v27  }
0x40: {  	[tilespmem:$0x3B0] =	vst v1;
	v1 =	vadd.s32 $0x802, v2;
	v2 =	vld [tilespmem:$0x410]  }
0x41: {  	[tilespmem:$0x3C0] =	vst v1;
	v1 =	vadd.s32 $0x802, v3;
	v3 =	vld [tilespmem:$0x420]  }
0x42: {  	v31 =	vld [tilespmem:$0x430];
	[tilespmem:$0x3D0] =	vst v1;
	v1 =	vadd.s32 $0x802, v28  }
0x43: {  	v32 =	vld [tilespmem:$0x440];
	[tilespmem:$0x3E0] =	vst v1;
	v1 =	vadd.s32 $0x802, v29  }
0x44: {  	v33 =	vld [tilespmem:$0x450];
	[tilespmem:$0x3F0] =	vst v1;
	v1 =	vadd.s32 $0x802, v30  }
0x45: {  	[tilespmem:$0x400] =	vst v1;
	v1 =	vadd.s32 $0x802, v2;
	v2 =	vld [tilespmem:$0x460]  }
0x46: {  	[tilespmem:$0x410] =	vst v1;
	v1 =	vadd.s32 $0x802, v3;
	v3 =	vld [tilespmem:$0x470]  }
0x47: {  	v34 =	vld [tilespmem:$0x480];
	[tilespmem:$0x420] =	vst v1;
	v1 =	vadd.s32 $0x802, v31  }
0x48: {  	v35 =	vld [tilespmem:$0x490];
	[tilespmem:$0x430] =	vst v1;
	v1 =	vadd.s32 $0x802, v32  }
0x49: {  	v36 =	vld [tilespmem:$0x4A0];
	[tilespmem:$0x440] =	vst v1;
	v1 =	vadd.s32 $0x802, v33  }
0x4a: {  	[tilespmem:$0x450] =	vst v1;
	v1 =	vadd.s32 $0x802, v2;
	v2 =	vld [tilespmem:$0x4B0]  }
0x4b: {  	[tilespmem:$0x460] =	vst v1;
	v1 =	vadd.s32 $0x802, v3;
	v3 =	vld [tilespmem:$0x4C0]  }
0x4c: {  	v37 =	vld [tilespmem:$0x4D0];
	[tilespmem:$0x470] =	vst v1;
	v1 =	vadd.s32 $0xC03, v34  }
0x4d: {  	v38 =	vld [tilespmem:$0x4E0];
	[tilespmem:$0x480] =	vst v1;
	v1 =	vadd.s32 $0xC03, v35  }
0x4e: {  	v39 =	vld [tilespmem:$0x4F0];
	[tilespmem:$0x490] =	vst v1;
	v1 =	vadd.s32 $0xC03, v36  }
0x4f: {  	[tilespmem:$0x4A0] =	vst v1;
	v1 =	vadd.s32 $0xC03, v2;
	v2 =	vld [tilespmem:$0x500]  }
0x50: {  	[tilespmem:$0x4B0] =	vst v1;
	v1 =	vadd.s32 $0xC03, v3;
	v3 =	vld [tilespmem:$0x510]  }
0x51: {  	v40 =	vld [tilespmem:$0x520];
	[tilespmem:$0x4C0] =	vst v1;
	v1 =	vadd.s32 $0xC03, v37  }
0x52: {  	v41 =	vld [tilespmem:$0x530];
	[tilespmem:$0x4D0] =	vst v1;
	v1 =	vadd.s32 $0xC03, v38  }
0x53: {  	v42 =	vld [tilespmem:$0x540];
	[tilespmem:$0x4E0] =	vst v1;
	v1 =	vadd.s32 $0xC03, v39  }
0x54: {  	[tilespmem:$0x4F0] =	vst v1;
	v1 =	vadd.s32 $0xC03, v2;
	v2 =	vld [tilespmem:$0x550]  }
0x55: {  	[tilespmem:$0x500] =	vst v1;
	v1 =	vadd.s32 $0xC03, v3;
	v3 =	vld [tilespmem:$0x560]  }
0x56: {  	v43 =	vld [tilespmem:$0x570];
	[tilespmem:$0x510] =	vst v1;
	v1 =	vadd.s32 $0xC03, v40  }
0x57: {  	v44 =	vld [tilespmem:$0x580];
	[tilespmem:$0x520] =	vst v1;
	v1 =	vadd.s32 $0xC03, v41  }
0x58: {  	v45 =	vld [tilespmem:$0x590];
	[tilespmem:$0x530] =	vst v1;
	v1 =	vadd.s32 $0xC03, v42  }
0x59: {  	[tilespmem:$0x540] =	vst v1;
	v1 =	vadd.s32 $0xC03, v2;
	v2 =	vld [tilespmem:$0x5A0]  }
0x5a: {  	[tilespmem:$0x550] =	vst v1;
	v1 =	vadd.s32 $0xC03, v3;
	v3 =	vld [tilespmem:$0x5B0]  }
0x5b: {  	v46 =	vld [tilespmem:$0x5C0];
	[tilespmem:$0x560] =	vst v1;
	v1 =	vadd.s32 $0xC03, v43  }
0x5c: {  	v47 =	vld [tilespmem:$0x5D0];
	[tilespmem:$0x570] =	vst v1;
	v1 =	vadd.s32 $0xC03, v44  }
0x5d: {  	v48 =	vld [tilespmem:$0x5E0];
	[tilespmem:$0x580] =	vst v1;
	v1 =	vadd.s32 $0xC03, v45  }
0x5e: {  	[tilespmem:$0x590] =	vst v1;
	v1 =	vadd.s32 $0xC03, v2;
	v2 =	vld [tilespmem:$0x5F0]  }
0x5f: {  	[tilespmem:$0x5A0] =	vst v1;
	v1 =	vadd.s32 $0xC03, v3;
	v3 =	vld [tilespmem:$0x600]  }
0x60: {  	v49 =	vld [tilespmem:$0x610];
	[tilespmem:$0x5B0] =	vst v1;
	v1 =	vadd.s32 $0xC03, v46  }
0x61: {  	v50 =	vld [tilespmem:$0x620];
	[tilespmem:$0x5C0] =	vst v1;
	v1 =	vadd.s32 $0xC03, v47  }
0x62: {  	v51 =	vld [tilespmem:$0x630];
	[tilespmem:$0x5D0] =	vst v1;
	v1 =	vadd.s32 $0xC03, v48  }
0x63: {  	[tilespmem:$0x5E0] =	vst v1;
	v1 =	vadd.s32 $0xC03, v2;
	v2 =	vld [tilespmem:$0x640]  }
0x64: {  	[tilespmem:$0x5F0] =	vst v1;
	v1 =	vadd.s32 $0x1004, v3;
	v3 =	vld [tilespmem:$0x650]  }
0x65: {  	v52 =	vld [tilespmem:$0x660];
	[tilespmem:$0x600] =	vst v1;
	v1 =	vadd.s32 $0x1004, v49  }
0x66: {  	v53 =	vld [tilespmem:$0x670];
	[tilespmem:$0x610] =	vst v1;
	v1 =	vadd.s32 $0x1004, v50  }
0x67: {  	v54 =	vld [tilespmem:$0x680];
	[tilespmem:$0x620] =	vst v1;
	v1 =	vadd.s32 $0x1004, v51  }
0x68: {  	[tilespmem:$0x630] =	vst v1;
	v1 =	vadd.s32 $0x1004, v2;
	v2 =	vld [tilespmem:$0x690]  }
0x69: {  	[tilespmem:$0x640] =	vst v1;
	v1 =	vadd.s32 $0x1004, v3;
	v3 =	vld [tilespmem:$0x6A0]  }
0x6a: {  	v55 =	vld [tilespmem:$0x6B0];
	[tilespmem:$0x650] =	vst v1;
	v1 =	vadd.s32 $0x1004, v52  }
0x6b: {  	v56 =	vld [tilespmem:$0x6C0];
	[tilespmem:$0x660] =	vst v1;
	v1 =	vadd.s32 $0x1004, v53  }
0x6c: {  	v57 =	vld [tilespmem:$0x6D0];
	[tilespmem:$0x670] =	vst v1;
	v1 =	vadd.s32 $0x1004, v54  }
0x6d: {  	[tilespmem:$0x680] =	vst v1;
	v1 =	vadd.s32 $0x1004, v2;
	v2 =	vld [tilespmem:$0x6E0]  }
0x6e: {  	[tilespmem:$0x690] =	vst v1;
	v1 =	vadd.s32 $0x1004, v3;
	v3 =	vld [tilespmem:$0x6F0]  }
0x6f: {  	v58 =	vld [tilespmem:$0x700];
	[tilespmem:$0x6A0] =	vst v1;
	v1 =	vadd.s32 $0x1004, v55  }
0x70: {  	v59 =	vld [tilespmem:$0x710];
	[tilespmem:$0x6B0] =	vst v1;
	v1 =	vadd.s32 $0x1004, v56  }
0x71: {  	v60 =	vld [tilespmem:$0x720];
	[tilespmem:$0x6C0] =	vst v1;
	v1 =	vadd.s32 $0x1004, v57  }
0x72: {  	[tilespmem:$0x6D0] =	vst v1;
	v1 =	vadd.s32 $0x1004, v2;
	v2 =	vld [tilespmem:$0x730]  }
0x73: {  	[tilespmem:$0x6E0] =	vst v1;
	v1 =	vadd.s32 $0x1004, v3;
	v3 =	vld [tilespmem:$0x740]  }
0x74: {  	v61 =	vld [tilespmem:$0x750];
	[tilespmem:$0x6F0] =	vst v1;
	v1 =	vadd.s32 $0x1004, v58  }
0x75: {  	v62 =	vld [tilespmem:$0x760];
	[tilespmem:$0x700] =	vst v1;
	v1 =	vadd.s32 $0x1004, v59  }
0x76: {  	v63 =	vld [tilespmem:$0x770];
	[tilespmem:$0x710] =	vst v1;
	v1 =	vadd.s32 $0x1004, v60  }
0x77: {  	[tilespmem:$0x720] =	vst v1;
	v1 =	vadd.s32 $0x1004, v2  }
0x78: {  	[tilespmem:$0x730] =	vst v1;
	v1 =	vadd.s32 $0x1004, v3  }
0x79: {  	[tilespmem:$0x740] =	vst v1;
	v1 =	vadd.s32 $0x1004, v61  }
0x7a: {  	[tilespmem:$0x750] =	vst v1;
	v1 =	vadd.s32 $0x1004, v62  }
0x7b: {  	[tilespmem:$0x760] =	vst v1;
	v1 =	vadd.s32 $0x1004, v63  }
0x7c: {  	s28 =	simm.s32 $0x40;
	s29 =	simm.s32 $0x0;
	[tilespmem:$0x770] =	vst v1  }
.LBB2_3:
0x7d: {  	p0 =	sne.s32 s28, $0x1FC0;
	[tilespmem:s29+$0x780] =	vst v0;
	s29 =	smov.u32 s28;
	s28 =	sadd.s32 $0x40, s28  }
.Ltmp0:
0x7e: {  	(pc) =	sbr.rel @p0 .LBB2_3-.Ltmp0, $2  }
0x7f: {  	_ =	sdelay $0x2  }
0x80: {  	s29 =	sshra.s32 s29, $0x2  }
0x81: {  	[tilespmem:s29+$0x780] =	vst v0  }
0x82: {  	[tilespmem:s10], [sflag:$0x1] =	stream.indirect.gather.add.bf16 [hbm:s3], $0x10, s2, s9, $0xb8;
	[tilespmem:$0xF80] =	vst v63  }
0x83: {  	_ = 	snop  }
0x84: {  	[tilespmem:s10], [sflag:$0x1] =	stream.indirect.gather.add.bf16 [hbm:s3], $0x10, s9, s9, $0xb8;
	[tilespmem:$0xF80] =	vst v63  }
0x85: {  	_ = 	snop  }
0x86: {  	[tilespmem:s10], [sflag:$0x1] =	stream.indirect.gather.add.bf16 [hbm:s3], $0x10, s11, s9, $0xb8;
	[tilespmem:$0xF80] =	vst v63  }
0x87: {  	_ = 	snop  }
0x88: {  	[tilespmem:s10], [sflag:$0x1] =	stream.indirect.gather.add.bf16 [hbm:s3], $0x10, s12, s9, $0xb8;
	[tilespmem:$0xF80] =	vst v63  }
0x89: {  	_ = 	snop  }
0x8a: {  	[tilespmem:s10], [sflag:$0x1] =	stream.indirect.gather.add.bf16 [hbm:s3], $0x10, s13, s9, $0xb8;
	[tilespmem:$0xF80] =	vst v63  }
0x8b: {  	_ = 	snop  }
0x8c: {  	[tilespmem:s10], [sflag:$0x1] =	stream.indirect.gather.add.bf16 [hbm:s3], $0x10, s14, s9, $0xb8;
	[tilespmem:$0xF80] =	vst v63  }
0x8d: {  	_ = 	snop  }
0x8e: {  	[tilespmem:s10], [sflag:$0x1] =	stream.indirect.gather.add.bf16 [hbm:s3], $0x10, s15, s9, $0xb8;
	[tilespmem:$0xF80] =	vst v63  }
0x8f: {  	_ = 	snop  }
0x90: {  	[tilespmem:s10], [sflag:$0x1] =	stream.indirect.gather.add.bf16 [hbm:s3], $0x10, s16, s9, $0xb8;
	[tilespmem:$0xF80] =	vst v63  }
0x91: {  	_ = 	snop  }
0x92: {  	[tilespmem:s10], [sflag:$0x1] =	stream.indirect.gather.add.bf16 [hbm:s3], $0x10, s17, s9, $0xb8;
	[tilespmem:$0xF80] =	vst v63  }
0x93: {  	_ = 	snop  }
0x94: {  	[tilespmem:s10], [sflag:$0x1] =	stream.indirect.gather.add.bf16 [hbm:s3], $0x10, s18, s9, $0xb8;
	[tilespmem:$0xF80] =	vst v63  }
0x95: {  	_ = 	snop  }
0x96: {  	[tilespmem:s10], [sflag:$0x1] =	stream.indirect.gather.add.bf16 [hbm:s3], $0x10, s19, s9, $0xb8;
	[tilespmem:$0xF80] =	vst v63  }
0x97: {  	_ = 	snop  }
0x98: {  	[tilespmem:s10], [sflag:$0x1] =	stream.indirect.gather.add.bf16 [hbm:s3], $0x10, s20, s9, $0xb8;
	[tilespmem:$0xF80] =	vst v63  }
0x99: {  	_ = 	snop  }
0x9a: {  	[tilespmem:s10], [sflag:$0x1] =	stream.indirect.gather.add.bf16 [hbm:s3], $0x10, s21, s9, $0xb8;
	[tilespmem:$0xF80] =	vst v63  }
0x9b: {  	_ = 	snop  }
0x9c: {  	[tilespmem:s10], [sflag:$0x1] =	stream.indirect.gather.add.bf16 [hbm:s3], $0x10, s22, s9, $0xb8;
	[tilespmem:$0xF80] =	vst v63  }
0x9d: {  	_ = 	snop  }
0x9e: {  	[tilespmem:s10], [sflag:$0x1] =	stream.indirect.gather.add.bf16 [hbm:s3], $0x10, s23, s9, $0xb8;
	[tilespmem:$0xF80] =	vst v63  }
0x9f: {  	_ =	swait.ge [sflag:s24], $0x800  }
0xa0: {  	[sflag:s24] =	ssyncset.done $0x0  }
0xa1: {  	[sflag:s24] =	ssyncadd.s32 $0xFFFFF800  }
0xa2: {  	_ =	swait.ge [sflag:s24], $0x800  }
0xa3: {  	[sflag:s24] =	ssyncset.done $0x0  }
0xa4: {  	[sflag:s24] =	ssyncadd.s32 $0xFFFFF800  }
0xa5: {  	_ =	swait.ge [sflag:s24], $0x800  }
0xa6: {  	[sflag:s24] =	ssyncset.done $0x0  }
0xa7: {  	[sflag:s24] =	ssyncadd.s32 $0xFFFFF800  }
0xa8: {  	_ =	swait.ge [sflag:s24], $0x800  }
0xa9: {  	[sflag:s24] =	ssyncset.done $0x0  }
0xaa: {  	[sflag:s24] =	ssyncadd.s32 $0xFFFFF800  }
0xab: {  	_ =	swait.ge [sflag:s24], $0x800  }
0xac: {  	[sflag:s24] =	ssyncset.done $0x0  }
0xad: {  	[sflag:s24] =	ssyncadd.s32 $0xFFFFF800  }
0xae: {  	_ =	swait.ge [sflag:s24], $0x800  }
0xaf: {  	[sflag:s24] =	ssyncset.done $0x0  }
0xb0: {  	[sflag:s24] =	ssyncadd.s32 $0xFFFFF800  }
0xb1: {  	_ =	swait.ge [sflag:s24], $0x800  }
0xb2: {  	[sflag:s24] =	ssyncset.done $0x0  }
0xb3: {  	[sflag:s24] =	ssyncadd.s32 $0xFFFFF800  }
0xb4: {  	_ =	swait.ge [sflag:s24], $0x800  }
0xb5: {  	[sflag:s24] =	ssyncset.done $0x0  }
0xb6: {  	[sflag:s24] =	ssyncadd.s32 $0xFFFFF800  }
0xb7: {  	_ =	swait.ge [sflag:s24], $0x800  }
0xb8: {  	[sflag:s24] =	ssyncset.done $0x0  }
0xb9: {  	[sflag:s24] =	ssyncadd.s32 $0xFFFFF800  }
0xba: {  	_ =	swait.ge [sflag:s24], $0x800  }
0xbb: {  	[sflag:s24] =	ssyncset.done $0x0  }
0xbc: {  	[sflag:s24] =	ssyncadd.s32 $0xFFFFF800  }
0xbd: {  	_ =	swait.ge [sflag:s24], $0x800  }
0xbe: {  	[sflag:s24] =	ssyncset.done $0x0  }
0xbf: {  	[sflag:s24] =	ssyncadd.s32 $0xFFFFF800  }
0xc0: {  	_ =	swait.ge [sflag:s24], $0x800  }
0xc1: {  	[sflag:s24] =	ssyncset.done $0x0  }
0xc2: {  	[sflag:s24] =	ssyncadd.s32 $0xFFFFF800  }
0xc3: {  	_ =	swait.ge [sflag:s24], $0x800  }
0xc4: {  	[sflag:s24] =	ssyncset.done $0x0  }
0xc5: {  	[sflag:s24] =	ssyncadd.s32 $0xFFFFF800  }
0xc6: {  	_ =	swait.ge [sflag:s24], $0x800  }
0xc7: {  	[sflag:s24] =	ssyncset.done $0x0  }
0xc8: {  	[sflag:s24] =	ssyncadd.s32 $0xFFFFF800  }
0xc9: {  	s28 =	sshll.u32 s26, $0x8;
	s26 =	sadd.s32 $0x1, s26;
	_ =	swait.ge [sflag:s24], $0x800  }
0xca: {  	p0 =	sne.s32 s26, $0x20;
	[sflag:s24] =	ssyncset.done $0x0  }
.Ltmp1:
0xcb: {  	s28 =	sadd.s32 s28, s6;
	[sflag:s24] =	ssyncadd.s32 $0xFFFFF800;
	(pc) =	sbr.rel @p0 .LBB2_2-.Ltmp1, $4  }
0xcc: {  	[hbm4b:s28+s2] =	stream.linear.scatter [tilespmem:s10], [sflag:$0x2], $0x800, $0x38;
	[tilespmem:$0xF80] =	vst v63  }
0xcd: {  	_ =	swait.ge [sflag:s8], $0x800  }
0xce: {  	[sflag:s8] =	ssyncset.done $0x0  }
0xcf: {  	[sflag:s8] =	ssyncadd.s32 $0xFFFFF800  }
0xd0: {  	s25 =	sadd.s32 $0x1, s25  }
0xd1: {  	p0 =	sne.s32 s25, s7  }
.Ltmp2:
0xd2: {  	_ = 	snop;
	(pc) =	sbr.rel @p0 .LBB2_1-.Ltmp2, $1  }
0xd3: {  	_ =	sdelay $0x3  }
0xd4: {  	_ =	sfence.sel $0x180000  }
0xd5: {  	[bflag:$0x0] =	sbarrier.arrive $0xFFFF  }
0xd6: {  	p0 =	sne.s32 s1, $0x0;
	_ =	strace $0x90000047  }
0xd7: {  	s0 =	sadd.s32 @!p0 $0x100000, s0;
	[bflag:$0x2] =	sbarrier.arrive $0xFFFF  }
0xd8: {  	[sflag:s0] =	ssyncadd.tile.s32 @!p0 $0x1;
	_ =	shalt  }
.Lfunc_end2:
_tile_overlayer_lowered:
.L_overlay_start_2:
0xd9: {  	(tag) =	ssettag $0x2  }
0xda: {  	s0 =	rddreg [dreg:$0x0];
	s2 =	stileid.u32  }
0xdb: {  	s1 =	rddreg [dreg:$0x1];
	p0 =	sne.s32 s2, $0x0  }
0xdc: {  	s3 =	rddreg [dreg:$0x2];
	[bflag:$0x3] =	sbarrier.arrive $0xFFFF;
	s2 =	simm.s32 @!p0 $0x1C02  }
0xdd: {  	[timem:s3], [sflag:s2] =	dma.local @!p0 [hbm:s0], s1  }
0xde: {  	s0 =	simm.s32 @!p0 $0x2  }
0xdf: {  	_ =	swait.ge @!p0 [sflag:s0], s1  }
0xe0: {  	s1 =	ssub.s32 @!p0 $0x0, s1;
	[sflag:s0] =	ssyncset.done @!p0 $0x0  }
0xe1: {  	[sflag:s0] =	ssyncadd.s32 @!p0 s1  }
0xe2: {  	[bflag:$0x3] =	sbarrier.arrive $0xFFFF  }
0xe3: {  	_ =	shalt  }

</sc_bundles>
